<compile_context>
chip_gen: v7x
topology: tpu7x:2x2x1
jax: 0.10.2.dev20260603
libtpu: 0.0.44.dev20260713+nightly
codegen_flags: <defaults>
</compile_context>

<pallas_src>
import functools
import math

import jax
import jax.numpy as jnp
from jax import lax
from jax.experimental import pallas as pl
from jax.experimental.pallas import tpu as pltpu
from jax.experimental.pallas import tpu_sc as plsc

_B, _N, _D = 32, 1000, 1024
_QL = 20
_TOPK = 40
_BOXD = 4
_L = 16
_NCHUNK = (_N + _L - 1) // _L
_NPAD = _NCHUNK * _L
_NEG = float("-inf")
_INV_SQRT_D = 1.0 / math.sqrt(_D)


def _query_kernel(q_ref, qm_ref, wqb_ref, bq_ref, wsa_ref, gq_ref):
    xb = q_ref[0].astype(jnp.bfloat16)
    qm = qm_ref[0]
    qp = lax.dot_general(xb, wqb_ref[...], (((1,), (1,)), ((), ())),
                         preferred_element_type=jnp.float32)
    qp = qp + bq_ref[...]
    qpb = qp.astype(jnp.bfloat16)
    logits = lax.dot_general(wsa_ref[...], qpb, (((1,), (1,)), ((), ())),
                             preferred_element_type=jnp.float32)
    m = jnp.max(logits, axis=1, keepdims=True)
    e = jnp.exp(logits - m)
    attn = e / jnp.sum(e, axis=1, keepdims=True)
    attn = attn * qm
    attn = attn / (jnp.sum(attn, axis=1, keepdims=True) + 1e-12)
    gq = lax.dot_general(attn.astype(jnp.bfloat16), qpb,
                         (((1,), (0,)), ((), ())),
                         preferred_element_type=jnp.float32)
    gq_ref[0] = gq.astype(jnp.bfloat16)


def _score_kernel(ocr_ref, mask_ref, gq_ref, wocrb_ref, bocr_ref, out_ref):
    xb = ocr_ref[0].astype(jnp.bfloat16)
    kp = lax.dot_general(xb, wocrb_ref[...], (((1,), (1,)), ((), ())),
                         preferred_element_type=jnp.float32)
    kpb = (kp + bocr_ref[...]).astype(jnp.bfloat16)
    s = lax.dot_general(gq_ref[0], kpb, (((1,), (1,)), ((), ())),
                        preferred_element_type=jnp.float32)
    s = s * _INV_SQRT_D
    out_ref[0] = jnp.where(mask_ref[0] > 0, s, jnp.float32(-1e4))


def _sc_topk_gather(scores_hbm, mask_hbm, box_hbm, out_hbm,
                    sbuf, mbuf, boxbuf, selbuf, obuf):
    nc = 2
    b = lax.axis_index("s") * nc + lax.axis_index("c")
    lane = lax.iota(jnp.int32, _L)
    neg = jnp.full((_L,), _NEG, jnp.float32)

    pltpu.sync_copy(scores_hbm.at[pl.ds(b * _N, _N)], sbuf.at[pl.ds(0, _N)])
    pltpu.sync_copy(mask_hbm.at[pl.ds(b * _N, _N)], mbuf)
    pltpu.sync_copy(box_hbm.at[pl.ds(b * _N * _BOXD, _N * _BOXD)], boxbuf)

    ntail = _N - (_NCHUNK - 1) * _L
    tail = sbuf[pl.ds((_NCHUNK - 1) * _L, _L)]
    sbuf[pl.ds((_NCHUNK - 1) * _L, _L)] = jnp.where(lane < ntail, tail, neg)

    def sel_round(_, carry):
        def scan_chunk(c, st):
            bestv, besti = st
            idxv = c * _L + lane
            v = plsc.load_gather(sbuf, [idxv])
            better = v > bestv
            return (jnp.where(better, v, bestv),
                    jnp.where(better, idxv, besti))
        bestv, besti = lax.fori_loop(
            0, _NCHUNK, scan_chunk,
            (neg, jnp.zeros((_L,), jnp.int32)))
        mval = jnp.max(bestv)
        cand = jnp.where(bestv == mval, besti, jnp.int32(2**30))
        midx = jnp.min(cand)
        plsc.store_scatter(sbuf, [lane * 0 + midx], neg, mask=lane == 0)
        return carry

    lax.fori_loop(0, _TOPK, sel_round, jnp.int32(0))

    for c in range(3):
        selbuf[pl.ds(c * _L, _L)] = jnp.zeros((_L,), jnp.int32)

    def compact_chunk(c, cnt):
        idxv = c * _L + lane
        v = plsc.load_gather(sbuf, [idxv])
        m = (v == _NEG) & (idxv < _N)
        pos = cnt + plsc.cumsum(m.astype(jnp.int32)) - 1
        plsc.store_scatter(selbuf, [pos], idxv, mask=m)
        return cnt + plsc.all_reduce_population_count(m)

    lax.fori_loop(0, _NCHUNK, compact_chunk, jnp.zeros((_L,), jnp.int32))

    for c in range(_TOPK * _BOXD // _L):
        p = c * _L + lane
        r = p // _BOXD
        comp = p - r * _BOXD
        si = plsc.load_gather(selbuf, [r])
        mv = plsc.load_gather(mbuf, [si])
        bv = plsc.load_gather(boxbuf, [si * _BOXD + comp])
        obuf[pl.ds(c * _L, _L)] = bv * mv
    pltpu.sync_copy(obuf, out_hbm.at[pl.ds(b * _TOPK * _BOXD,
                                           _TOPK * _BOXD)])


@functools.lru_cache(maxsize=None)
def _make_topk_gather():
    mesh = plsc.VectorSubcoreMesh(core_axis_name="c", subcore_axis_name="s")
    return pl.kernel(
        _sc_topk_gather,
        mesh=mesh,
        compiler_params=pltpu.CompilerParams(needs_layout_passes=False),
        out_type=jax.ShapeDtypeStruct((_B * _TOPK * _BOXD,), jnp.float32),
        scratch_types=[
            pltpu.VMEM((_NPAD,), jnp.float32),
            pltpu.VMEM((_N,), jnp.float32),
            pltpu.VMEM((_N * _BOXD,), jnp.float32),
            pltpu.VMEM((48,), jnp.int32),
            pltpu.VMEM((_TOPK * _BOXD,), jnp.float32),
        ],
    )


def kernel(ocr_feat, ocr_mask, frame_feat, frame_mask, q_feat, q_mask,
           ocr_box, Wq, bq, W_sa, b_sa, W_ocr, b_ocr):
    del frame_feat, frame_mask, b_sa

    gqb = pl.pallas_call(
        _query_kernel,
        grid=(_B,),
        in_specs=[
            pl.BlockSpec((1, _QL, _D), lambda b: (b, 0, 0)),
            pl.BlockSpec((1, 1, _QL), lambda b: (b, 0, 0)),
            pl.BlockSpec((_D, _D), lambda b: (0, 0)),
            pl.BlockSpec((1, _D), lambda b: (0, 0)),
            pl.BlockSpec((1, _D), lambda b: (0, 0)),
        ],
        out_specs=pl.BlockSpec((1, 1, _D), lambda b: (b, 0, 0)),
        out_shape=jax.ShapeDtypeStruct((_B, 1, _D), jnp.bfloat16),
    )(q_feat, q_mask.reshape(_B, 1, _QL),
      Wq.astype(jnp.bfloat16), bq.reshape(1, _D),
      W_sa.astype(jnp.bfloat16))

    scores = pl.pallas_call(
        _score_kernel,
        grid=(_B,),
        in_specs=[
            pl.BlockSpec((1, _N, _D), lambda b: (b, 0, 0)),
            pl.BlockSpec((1, 1, _N), lambda b: (b, 0, 0)),
            pl.BlockSpec((1, 1, _D), lambda b: (b, 0, 0)),
            pl.BlockSpec((_D, _D), lambda b: (0, 0)),
            pl.BlockSpec((1, _D), lambda b: (0, 0)),
        ],
        out_specs=pl.BlockSpec((1, 1, _N), lambda b: (b, 0, 0)),
        out_shape=jax.ShapeDtypeStruct((_B, 1, _N), jnp.float32),
    )(ocr_feat, ocr_mask.reshape(_B, 1, _N), gqb,
      W_ocr.astype(jnp.bfloat16), b_ocr.reshape(1, _D))
    scores = scores.reshape(_B, _N)

    out_flat = _make_topk_gather()(scores.reshape(-1), ocr_mask.reshape(-1),
                                   ocr_box.reshape(-1))
    return out_flat.reshape(_B, _TOPK, _BOXD), scores

# --- scband reference (transcript-rebuilt; emitter-appended) ---
"""Pipeline reference for scband-post-hoc-attention-43370579755467 (READ-ONLY COPY).

The authoritative reference and input builder live on the scoring server;
editing this copy changes nothing except your own understanding.
"""

import jax, jax.numpy as jnp
import numpy as np
import math

B, NUM_OCR, D = 32, 1000, 1024
Q_LEN = 20
FRAME_NUM = 16
OCR_TOPK, FRAME_TOPK = 10, 4
TOPK = OCR_TOPK * FRAME_TOPK


def setup_inputs(seed: int = 0):
    key = jax.random.key(seed)
    ks = jax.random.split(key, 8)
    s = 1.0 / math.sqrt(D)
    return {
        'ocr_feat': jax.random.normal(ks[0], (B, NUM_OCR, D), jnp.float32),
        'ocr_mask': jnp.ones((B, NUM_OCR), jnp.float32),
        'frame_feat': jax.random.normal(ks[1], (B, FRAME_NUM, D), jnp.float32),
        'frame_mask': jnp.ones((B, FRAME_NUM), jnp.float32),
        'q_feat': jax.random.normal(ks[2], (B, Q_LEN, D), jnp.float32),
        'q_mask': jnp.ones((B, Q_LEN), jnp.float32),
        'ocr_box': jax.random.uniform(ks[3], (B, NUM_OCR, 4), jnp.float32),
        'Wq': jax.random.normal(ks[4], (D, D), jnp.float32) * s,
        'bq': jnp.zeros((D,), jnp.float32),
        'W_sa': jax.random.normal(ks[5], (1, D), jnp.float32) * s,
        'b_sa': jnp.zeros((1,), jnp.float32),
        'W_ocr': jax.random.normal(ks[6], (D, D), jnp.float32) * s,
        'b_ocr': jnp.zeros((D,), jnp.float32),
    }


def reference(ocr_feat, ocr_mask, frame_feat, frame_mask, q_feat, q_mask, ocr_box,
              Wq, bq, W_sa, b_sa, W_ocr, b_ocr):
    # q_proj = self.q_linear(q_feat)
    q_proj = q_feat @ Wq.T + bq                                  # [B, Q, D]
    # _calculate_self_attn
    attn = (q_proj @ W_sa.T + b_sa)[..., 0]                      # [B, Q]
    attn = jax.nn.softmax(attn, axis=-1)
    attn = attn * q_mask
    attn = attn / (jnp.sum(attn, axis=1, keepdims=True) + 1e-12)
    global_q = jnp.einsum('bq,bqd->bd', attn, q_proj)[:, None, :]  # [B, 1, D]
    # AttentionScore(hidden): project keys, scaled dot-product with query, mask
    k_proj = ocr_feat @ W_ocr.T + b_ocr                          # [B, N, D]
    scores = jnp.einsum('bqd,bnd->bqn', global_q, k_proj)[:, 0, :] / math.sqrt(D)
    scores = jnp.where(ocr_mask > 0, scores, -1e4)               # [B, N]
    # descending sort, take top ocr_topk*frame_topk indices
    sorted_idx = jnp.argsort(-scores, axis=-1)
    topk_idx = sorted_idx[:, :TOPK]
    # masked_select preserves original positional order -> sort indices ascending
    sel = jnp.sort(topk_idx, axis=1)                             # [B, TOPK]
    ground_ocr_box = jnp.take_along_axis(ocr_box, sel[:, :, None], axis=1)   # [B, TOPK, 4]
    ground_ocr_mask = jnp.take_along_axis(ocr_mask, sel, axis=1)             # [B, TOPK]
    ground_ocr_box = ground_ocr_box * ground_ocr_mask[:, :, None]
    return ground_ocr_box, scores

if __name__ == "__main__":
    import jax
    _d = setup_inputs()
    print(jax.jit(kernel)(*tuple(_d.values())))

</pallas_src>

<mosaic_0001>
#map = affine_map<(d0, d1) -> (0)>
module attributes {stable_mosaic.version = 14 : i64} {
  func.func @_sc_topk_gather(%arg0: i32, %arg1: i32, %arg2: memref<32000xf32, #tpu.memory_space<hbm>>, %arg3: memref<32000xf32, #tpu.memory_space<hbm>>, %arg4: memref<128000xf32, #tpu.memory_space<hbm>>, %arg5: memref<5120xf32, #tpu.memory_space<hbm>>, %arg6: memref<1008xf32, #tpu.memory_space<vmem>>, %arg7: memref<1000xf32, #tpu.memory_space<vmem>>, %arg8: memref<4000xf32, #tpu.memory_space<vmem>>, %arg9: memref<48xi32, #tpu.memory_space<vmem>>, %arg10: memref<160xf32, #tpu.memory_space<vmem>>) attributes {dimension_semantics = [#tpu.dimension_semantics<core_parallel>, #tpu.dimension_semantics<subcore_parallel>], iteration_bounds = array<i64: 2, 16>, scalar_prefetch = 0 : i64, scratch_operands = 5 : i64, tpu.core_type = #tpu.core_type<sc_vector_subcore>, window_params = [{transform_indices = #map}, {transform_indices = #map}, {transform_indices = #map}, {transform_indices = #map}]} {
    %mul3A = arith.constant 2 : i32
    %mul3A_0 = arith.muli %arg1, %mul3A : i32
    %add3A = arith.addi %mul3A_0, %arg0 : i32
    %iota3A = tpu.iota {dimensions = array<i32: 0>} : vector<16xi32>
    %broadcast_in_dim3A = arith.constant 0xFF800000 : f32
    %broadcast_in_dim3A_1 = vector.broadcast %broadcast_in_dim3A : f32 to vector<16xf32>
    %mul3A_2 = arith.constant 1000 : i32
    %mul3A_3 = arith.muli %add3A, %mul3A_2 : i32
    "tpu.region"() ({
      %run_scoped3A = tpu.sem_alloc : memref<!tpu.dma_semaphore, #tpu.memory_space<semaphore_mem>>
      %dma_start3A = arith.constant 0 : i32
      %dma_start3A_515 = tpu.memref_slice %arg6[%dma_start3A] : memref<1008xf32, #tpu.memory_space<vmem>> -> memref<1000xf32, #tpu.memory_space<vmem>>
      %dma_start3A_516 = tpu.memref_slice %arg2[%mul3A_3] : memref<32000xf32, #tpu.memory_space<hbm>> -> memref<1000xf32, #tpu.memory_space<hbm>>
      %dma_start3A_517 = arith.constant 0 : i32
      %dma_start3A_518 = tpu.memref_slice %arg6[%dma_start3A_517] : memref<1008xf32, #tpu.memory_space<vmem>> -> memref<1000xf32, #tpu.memory_space<vmem>>
      %dma_start3A_519 = tpu.memref_slice %arg2[%mul3A_3] : memref<32000xf32, #tpu.memory_space<hbm>> -> memref<1000xf32, #tpu.memory_space<hbm>>
      tpu.enqueue_dma source(%dma_start3A_519 : memref<1000xf32, #tpu.memory_space<hbm>>) target(%dma_start3A_518 : memref<1000xf32, #tpu.memory_space<vmem>>) target_semaphore(%run_scoped3A : memref<!tpu.dma_semaphore, #tpu.memory_space<semaphore_mem>>)
      %dma_wait3A = arith.constant 0 : i32
      %dma_wait3A_520 = tpu.memref_slice %arg6[%dma_wait3A] : memref<1008xf32, #tpu.memory_space<vmem>> -> memref<1000xf32, #tpu.memory_space<vmem>>
      %dma_wait3A_521 = tpu.memref_slice %arg2[%mul3A_3] : memref<32000xf32, #tpu.memory_space<hbm>> -> memref<1000xf32, #tpu.memory_space<hbm>>
      %dma_wait3A_522 = arith.constant 0 : i32
      %dma_wait3A_523 = tpu.memref_slice %arg6[%dma_wait3A_522] : memref<1008xf32, #tpu.memory_space<vmem>> -> memref<1000xf32, #tpu.memory_space<vmem>>
      %dma_wait3A_524 = tpu.memref_slice %arg2[%mul3A_3] : memref<32000xf32, #tpu.memory_space<hbm>> -> memref<1000xf32, #tpu.memory_space<hbm>>
      tpu.wait_dma2 semaphore(%run_scoped3A : memref<!tpu.dma_semaphore, #tpu.memory_space<semaphore_mem>>) src(%dma_wait3A_524 : memref<1000xf32, #tpu.memory_space<hbm>>) dst(%dma_wait3A_523 : memref<1000xf32, #tpu.memory_space<vmem>>)
      tpu.yield
    }) : () -> ()
    %mul3A_4 = arith.constant 1000 : i32
    %mul3A_5 = arith.muli %add3A, %mul3A_4 : i32
    "tpu.region"() ({
      %run_scoped3A = tpu.sem_alloc : memref<!tpu.dma_semaphore, #tpu.memory_space<semaphore_mem>>
      %dma_start3A = tpu.memref_slice %arg3[%mul3A_5] : memref<32000xf32, #tpu.memory_space<hbm>> -> memref<1000xf32, #tpu.memory_space<hbm>>
      %dma_start3A_515 = tpu.memref_slice %arg3[%mul3A_5] : memref<32000xf32, #tpu.memory_space<hbm>> -> memref<1000xf32, #tpu.memory_space<hbm>>
      tpu.enqueue_dma source(%dma_start3A_515 : memref<1000xf32, #tpu.memory_space<hbm>>) target(%arg7 : memref<1000xf32, #tpu.memory_space<vmem>>) target_semaphore(%run_scoped3A : memref<!tpu.dma_semaphore, #tpu.memory_space<semaphore_mem>>)
      %dma_wait3A = tpu.memref_slice %arg3[%mul3A_5] : memref<32000xf32, #tpu.memory_space<hbm>> -> memref<1000xf32, #tpu.memory_space<hbm>>
      %dma_wait3A_516 = tpu.memref_slice %arg3[%mul3A_5] : memref<32000xf32, #tpu.memory_space<hbm>> -> memref<1000xf32, #tpu.memory_space<hbm>>
      tpu.wait_dma2 semaphore(%run_scoped3A : memref<!tpu.dma_semaphore, #tpu.memory_space<semaphore_mem>>) src(%dma_wait3A_516 : memref<1000xf32, #tpu.memory_space<hbm>>) dst(%arg7 : memref<1000xf32, #tpu.memory_space<vmem>>)
      tpu.yield
    }) : () -> ()
    %mul3A_6 = arith.constant 1000 : i32
    %mul3A_7 = arith.muli %add3A, %mul3A_6 : i32
    %mul3A_8 = arith.constant 4 : i32
    %mul3A_9 = arith.muli %mul3A_7, %mul3A_8 : i32
    "tpu.region"() ({
      %run_scoped3A = tpu.sem_alloc : memref<!tpu.dma_semaphore, #tpu.memory_space<semaphore_mem>>
      %dma_start3A = tpu.memref_slice %arg4[%mul3A_9] : memref<128000xf32, #tpu.memory_space<hbm>> -> memref<4000xf32, #tpu.memory_space<hbm>>
      %dma_start3A_515 = tpu.memref_slice %arg4[%mul3A_9] : memref<128000xf32, #tpu.memory_space<hbm>> -> memref<4000xf32, #tpu.memory_space<hbm>>
      tpu.enqueue_dma source(%dma_start3A_515 : memref<4000xf32, #tpu.memory_space<hbm>>) target(%arg8 : memref<4000xf32, #tpu.memory_space<vmem>>) target_semaphore(%run_scoped3A : memref<!tpu.dma_semaphore, #tpu.memory_space<semaphore_mem>>)
      %dma_wait3A = tpu.memref_slice %arg4[%mul3A_9] : memref<128000xf32, #tpu.memory_space<hbm>> -> memref<4000xf32, #tpu.memory_space<hbm>>
      %dma_wait3A_516 = tpu.memref_slice %arg4[%mul3A_9] : memref<128000xf32, #tpu.memory_space<hbm>> -> memref<4000xf32, #tpu.memory_space<hbm>>
      tpu.wait_dma2 semaphore(%run_scoped3A : memref<!tpu.dma_semaphore, #tpu.memory_space<semaphore_mem>>) src(%dma_wait3A_516 : memref<4000xf32, #tpu.memory_space<hbm>>) dst(%arg8 : memref<4000xf32, #tpu.memory_space<vmem>>)
      tpu.yield
    }) : () -> ()
    %get3A = arith.constant 992 : index
    %get3A_10 = tpu.vector_load %arg6[%get3A] {strides = array<i32>} : memref<1008xf32, #tpu.memory_space<vmem>>, vector<16xf32>,
    %lt3A = arith.constant 8 : i32
    %lt3A_11 = vector.broadcast %lt3A : i32 to vector<16xi32>
    %lt3A_12 = arith.cmpi slt, %iota3A, %lt3A_11 : vector<16xi32>
    %select_n3A = arith.select %lt3A_12, %get3A_10, %broadcast_in_dim3A_1 : vector<16xi1>, vector<16xf32>
    %swap3A = arith.constant 992 : index
    %swap3A_13 = tpu.vector_load %arg6[%swap3A] {strides = array<i32>} : memref<1008xf32, #tpu.memory_space<vmem>>, vector<16xf32>,
    tpu.vector_store %arg6[%swap3A], %select_n3A {strides = array<i32>} : memref<1008xf32, #tpu.memory_space<vmem>>, vector<16xf32>,
    %scan3A = arith.constant 0 : i32
    %scan3A_14 = arith.constant 0 : i32
    %scan3A_15 = arith.constant 40 : i32
    %scan3A_16 = arith.addi %scan3A_14, %scan3A_15 : i32
    %scan3A_17 = arith.constant 1 : i32
    scf.for %scan3A_515 = %scan3A_14 to %scan3A_16 step %scan3A_17  : i32 {
      %broadcast_in_dim3A_516 = arith.constant 0 : i32
      %broadcast_in_dim3A_517 = vector.broadcast %broadcast_in_dim3A_516 : i32 to vector<16xi32>
      %scan3A_518 = arith.constant 0 : i32
      %scan3A_519 = arith.constant 63 : i32
      %scan3A_520 = arith.addi %scan3A_518, %scan3A_519 : i32
      %scan3A_521 = arith.constant 1 : i32
      %scan3A_522:2 = scf.for %scan3A_546 = %scan3A_518 to %scan3A_520 step %scan3A_521 iter_args(%scan3A_547 = %broadcast_in_dim3A_1, %scan3A_548 = %broadcast_in_dim3A_517) -> (vector<16xf32>, vector<16xi32>)  : i32 {
        %mul3A_549 = arith.constant 16 : i32
        %mul3A_550 = arith.muli %scan3A_546, %mul3A_549 : i32
        %add3A_551 = vector.broadcast %mul3A_550 : i32 to vector<16xi32>
        %add3A_552 = arith.addi %add3A_551, %iota3A : vector<16xi32>
        %gather3A_553 = tpu.vector_load_idx %arg6[%add3A_552] : memref<1008xf32, #tpu.memory_space<vmem>>[vector<16xi32>], vector<16xf32>,
        %gt3A = arith.cmpf ogt, %gather3A_553, %scan3A_547 : vector<16xf32>
        %select_n3A_554 = arith.select %gt3A, %gather3A_553, %scan3A_547 : vector<16xi1>, vector<16xf32>
        %select_n3A_555 = arith.select %gt3A, %add3A_552, %scan3A_548 : vector<16xi1>, vector<16xi32>
        scf.yield %select_n3A_554, %select_n3A_555 : vector<16xf32>, vector<16xi32>
      }
      %scan3A_523 = arith.constant 63 : i32
      %reduce_max3A = arith.constant true
      %reduce_max3A_524 = vector.broadcast %reduce_max3A : i1 to vector<16xi1>
      %reduce_max3A_525 = tpu.scan <max>, %scan3A_522#0 masked %reduce_max3A_524 : vector<16xf32>, vector<16xi1> -> vector<16xf32>
      %reduce_max3A_526 = vector.extract %reduce_max3A_525[15] : f32 from vector<16xf32>
      %eq3A = vector.broadcast %reduce_max3A_526 : f32 to vector<16xf32>
      %eq3A_527 = arith.cmpf oeq, %scan3A_522#0, %eq3A : vector<16xf32>
      %jit3A_528 = arith.constant 1073741824 : i32
      %broadcast_in_dim3A_529 = vector.broadcast %jit3A_528 : i32 to vector<16xi32>
      %select_n3A_530 = arith.select %eq3A_527, %scan3A_522#1, %broadcast_in_dim3A_529 : vector<16xi1>, vector<16xi32>
      %reduce_min3A = arith.constant true
      %reduce_min3A_531 = vector.broadcast %reduce_min3A : i1 to vector<16xi1>
      %reduce_min3A_532 = arith.constant -2147483648 : i32
      %reduce_min3A_533 = vector.broadcast %reduce_min3A_532 : i32 to vector<16xi32>
      %reduce_min3A_534 = arith.xori %select_n3A_530, %reduce_min3A_533 : vector<16xi32>
      %reduce_min3A_535 = tpu.scan <min>, %reduce_min3A_534 masked %reduce_min3A_531 : vector<16xi32>, vector<16xi1> -> vector<16xi32>
      %reduce_min3A_536 = arith.xori %reduce_min3A_535, %reduce_min3A_533 : vector<16xi32>
      %reduce_min3A_537 = vector.extract %reduce_min3A_536[15] : i32 from vector<16xi32>
      %mul3A_538 = arith.constant 0 : i32
      %mul3A_539 = vector.broadcast %mul3A_538 : i32 to vector<16xi32>
      %mul3A_540 = arith.muli %iota3A, %mul3A_539 : vector<16xi32>
      %add3A_541 = vector.broadcast %reduce_min3A_537 : i32 to vector<16xi32>
      %add3A_542 = arith.addi %mul3A_540, %add3A_541 : vector<16xi32>
      %eq3A_543 = arith.constant 0 : i32
      %eq3A_544 = vector.broadcast %eq3A_543 : i32 to vector<16xi32>
      %eq3A_545 = arith.cmpi eq, %iota3A, %eq3A_544 : vector<16xi32>
      tpu.vector_store_idx %arg6[%add3A_542], %broadcast_in_dim3A_1 masked %eq3A_545 : memref<1008xf32, #tpu.memory_space<vmem>>[vector<16xi32>], vector<16xf32>, vector<16xi1>
    }
    %scan3A_18 = arith.constant 40 : i32
    %broadcast_in_dim3A_19 = arith.constant 0 : i32
    %broadcast_in_dim3A_20 = vector.broadcast %broadcast_in_dim3A_19 : i32 to vector<16xi32>
    %swap3A_21 = arith.constant 0 : index
    %swap3A_22 = tpu.vector_load %arg9[%swap3A_21] {strides = array<i32>} : memref<48xi32, #tpu.memory_space<vmem>>, vector<16xi32>,
    tpu.vector_store %arg9[%swap3A_21], %broadcast_in_dim3A_20 {strides = array<i32>} : memref<48xi32, #tpu.memory_space<vmem>>, vector<16xi32>,
    %broadcast_in_dim3A_23 = arith.constant 0 : i32
    %broadcast_in_dim3A_24 = vector.broadcast %broadcast_in_dim3A_23 : i32 to vector<16xi32>
    %swap3A_25 = arith.constant 16 : index
    %swap3A_26 = tpu.vector_load %arg9[%swap3A_25] {strides = array<i32>} : memref<48xi32, #tpu.memory_space<vmem>>, vector<16xi32>,
    tpu.vector_store %arg9[%swap3A_25], %broadcast_in_dim3A_24 {strides = array<i32>} : memref<48xi32, #tpu.memory_space<vmem>>, vector<16xi32>,
    %broadcast_in_dim3A_27 = arith.constant 0 : i32
    %broadcast_in_dim3A_28 = vector.broadcast %broadcast_in_dim3A_27 : i32 to vector<16xi32>
    %swap3A_29 = arith.constant 32 : index
    %swap3A_30 = tpu.vector_load %arg9[%swap3A_29] {strides = array<i32>} : memref<48xi32, #tpu.memory_space<vmem>>, vector<16xi32>,
    tpu.vector_store %arg9[%swap3A_29], %broadcast_in_dim3A_28 {strides = array<i32>} : memref<48xi32, #tpu.memory_space<vmem>>, vector<16xi32>,
    %broadcast_in_dim3A_31 = arith.constant 0 : i32
    %broadcast_in_dim3A_32 = vector.broadcast %broadcast_in_dim3A_31 : i32 to vector<16xi32>
    %scan3A_33 = arith.constant 0 : i32
    %scan3A_34 = arith.constant 63 : i32
    %scan3A_35 = arith.addi %scan3A_33, %scan3A_34 : i32
    %scan3A_36 = arith.constant 1 : i32
    %scan3A_37 = scf.for %scan3A_515 = %scan3A_33 to %scan3A_35 step %scan3A_36 iter_args(%scan3A_516 = %broadcast_in_dim3A_32) -> (vector<16xi32>)  : i32 {
      %mul3A_517 = arith.constant 16 : i32
      %mul3A_518 = arith.muli %scan3A_515, %mul3A_517 : i32
      %add3A_519 = vector.broadcast %mul3A_518 : i32 to vector<16xi32>
      %add3A_520 = arith.addi %add3A_519, %iota3A : vector<16xi32>
      %gather3A_521 = tpu.vector_load_idx %arg6[%add3A_520] : memref<1008xf32, #tpu.memory_space<vmem>>[vector<16xi32>], vector<16xf32>,
      %eq3A = arith.constant 0xFF800000 : f32
      %eq3A_522 = vector.broadcast %eq3A : f32 to vector<16xf32>
      %eq3A_523 = arith.cmpf oeq, %gather3A_521, %eq3A_522 : vector<16xf32>
      %lt3A_524 = arith.constant 1000 : i32
      %lt3A_525 = vector.broadcast %lt3A_524 : i32 to vector<16xi32>
      %lt3A_526 = arith.cmpi slt, %add3A_520, %lt3A_525 : vector<16xi32>
      %and3A_527 = arith.andi %eq3A_523, %lt3A_526 : vector<16xi1>
      %convert_element_type3A = arith.extui %and3A_527 : vector<16xi1> to vector<16xi32>
      %broadcast_in_dim3A_528 = arith.constant true
      %broadcast_in_dim3A_529 = vector.broadcast %broadcast_in_dim3A_528 : i1 to vector<16xi1>
      %masked_cumsum3A = tpu.scan <sum>, %convert_element_type3A masked %broadcast_in_dim3A_529 : vector<16xi32>, vector<16xi1> -> vector<16xi32>
      %add3A_530 = arith.addi %scan3A_516, %masked_cumsum3A : vector<16xi32>
      %sub3A_531 = arith.constant 1 : i32
      %sub3A_532 = vector.broadcast %sub3A_531 : i32 to vector<16xi32>
      %sub3A_533 = arith.subi %add3A_530, %sub3A_532 : vector<16xi32>
      tpu.vector_store_idx %arg9[%sub3A_533], %add3A_520 masked %and3A_527 : memref<48xi32, #tpu.memory_space<vmem>>[vector<16xi32>], vector<16xi32>, vector<16xi1>
      %all_reduce_population_count3A = tpu.all_reduce %and3A_527 {dim = 0 : i64, kind = #tpu.reduction_kind<sum>} : vector<16xi1> -> vector<16xi32>
      %add3A_534 = arith.addi %scan3A_516, %all_reduce_population_count3A : vector<16xi32>
      scf.yield %add3A_534 : vector<16xi32>
    }
    %scan3A_38 = arith.constant 63 : i32
    %add3A_39 = arith.constant 0 : i32
    %add3A_40 = vector.broadcast %add3A_39 : i32 to vector<16xi32>
    %add3A_41 = arith.addi %add3A_40, %iota3A : vector<16xi32>
    %jit3A = arith.constant 4 : i32
    %div3A = vector.broadcast %jit3A : i32 to vector<16xi32>
    %div3A_42 = arith.divsi %add3A_41, %div3A : vector<16xi32>
    %sign3A = arith.constant 0 : i32
    %sign3A_43 = vector.broadcast %sign3A : i32 to vector<16xi32>
    %sign3A_44 = arith.cmpi sgt, %add3A_41, %sign3A_43 : vector<16xi32>
    %sign3A_45 = arith.extui %sign3A_44 : vector<16xi1> to vector<16xi32>
    %sign3A_46 = arith.constant 0 : i32
    %sign3A_47 = vector.broadcast %sign3A_46 : i32 to vector<16xi32>
    %sign3A_48 = arith.cmpi slt, %add3A_41, %sign3A_47 : vector<16xi32>
    %sign3A_49 = arith.extui %sign3A_48 : vector<16xi1> to vector<16xi32>
    %sign3A_50 = arith.subi %sign3A_45, %sign3A_49 : vector<16xi32>
    %sign3A_51 = arith.constant 0 : i32
    %sign3A_52 = arith.cmpi sgt, %jit3A, %sign3A_51 : i32
    %sign3A_53 = arith.extui %sign3A_52 : i1 to i32
    %sign3A_54 = arith.constant 0 : i32
    %sign3A_55 = arith.cmpi slt, %jit3A, %sign3A_54 : i32
    %sign3A_56 = arith.extui %sign3A_55 : i1 to i32
    %sign3A_57 = arith.subi %sign3A_53, %sign3A_56 : i32
    %ne3A = vector.broadcast %sign3A_57 : i32 to vector<16xi32>
    %ne3A_58 = arith.cmpi ne, %sign3A_50, %ne3A : vector<16xi32>
    %rem3A = vector.broadcast %jit3A : i32 to vector<16xi32>
    %rem3A_59 = arith.remsi %add3A_41, %rem3A : vector<16xi32>
    %ne3A_60 = arith.constant 0 : i32
    %ne3A_61 = vector.broadcast %ne3A_60 : i32 to vector<16xi32>
    %ne3A_62 = arith.cmpi ne, %rem3A_59, %ne3A_61 : vector<16xi32>
    %and3A = arith.andi %ne3A_58, %ne3A_62 : vector<16xi1>
    %sub3A = arith.constant 1 : i32
    %sub3A_63 = vector.broadcast %sub3A : i32 to vector<16xi32>
    %sub3A_64 = arith.subi %div3A_42, %sub3A_63 : vector<16xi32>
    %select_n3A_65 = arith.select %and3A, %sub3A_64, %div3A_42 : vector<16xi1>, vector<16xi32>
    %mul3A_66 = arith.constant 4 : i32
    %mul3A_67 = vector.broadcast %mul3A_66 : i32 to vector<16xi32>
    %mul3A_68 = arith.muli %select_n3A_65, %mul3A_67 : vector<16xi32>
    %sub3A_69 = arith.subi %add3A_41, %mul3A_68 : vector<16xi32>
    %gather3A = tpu.vector_load_idx %arg9[%select_n3A_65] : memref<48xi32, #tpu.memory_space<vmem>>[vector<16xi32>], vector<16xi32>,
    %gather3A_70 = tpu.vector_load_idx %arg7[%gather3A] : memref<1000xf32, #tpu.memory_space<vmem>>[vector<16xi32>], vector<16xf32>,
    %mul3A_71 = arith.constant 4 : i32
    %mul3A_72 = vector.broadcast %mul3A_71 : i32 to vector<16xi32>
    %mul3A_73 = arith.muli %gather3A, %mul3A_72 : vector<16xi32>
    %add3A_74 = arith.addi %mul3A_73, %sub3A_69 : vector<16xi32>
    %gather3A_75 = tpu.vector_load_idx %arg8[%add3A_74] : memref<4000xf32, #tpu.memory_space<vmem>>[vector<16xi32>], vector<16xf32>,
    %mul3A_76 = arith.mulf %gather3A_75, %gather3A_70 : vector<16xf32>
    %swap3A_77 = arith.constant 0 : index
    %swap3A_78 = tpu.vector_load %arg10[%swap3A_77] {strides = array<i32>} : memref<160xf32, #tpu.memory_space<vmem>>, vector<16xf32>,
    tpu.vector_store %arg10[%swap3A_77], %mul3A_76 {strides = array<i32>} : memref<160xf32, #tpu.memory_space<vmem>>, vector<16xf32>,
    %add3A_79 = arith.constant 16 : i32
    %add3A_80 = vector.broadcast %add3A_79 : i32 to vector<16xi32>
    %add3A_81 = arith.addi %add3A_80, %iota3A : vector<16xi32>
    %jit3A_82 = arith.constant 4 : i32
    %div3A_83 = vector.broadcast %jit3A_82 : i32 to vector<16xi32>
    %div3A_84 = arith.divsi %add3A_81, %div3A_83 : vector<16xi32>
    %sign3A_85 = arith.constant 0 : i32
    %sign3A_86 = vector.broadcast %sign3A_85 : i32 to vector<16xi32>
    %sign3A_87 = arith.cmpi sgt, %add3A_81, %sign3A_86 : vector<16xi32>
    %sign3A_88 = arith.extui %sign3A_87 : vector<16xi1> to vector<16xi32>
    %sign3A_89 = arith.constant 0 : i32
    %sign3A_90 = vector.broadcast %sign3A_89 : i32 to vector<16xi32>
    %sign3A_91 = arith.cmpi slt, %add3A_81, %sign3A_90 : vector<16xi32>
    %sign3A_92 = arith.extui %sign3A_91 : vector<16xi1> to vector<16xi32>
    %sign3A_93 = arith.subi %sign3A_88, %sign3A_92 : vector<16xi32>
    %sign3A_94 = arith.constant 0 : i32
    %sign3A_95 = arith.cmpi sgt, %jit3A_82, %sign3A_94 : i32
    %sign3A_96 = arith.extui %sign3A_95 : i1 to i32
    %sign3A_97 = arith.constant 0 : i32
    %sign3A_98 = arith.cmpi slt, %jit3A_82, %sign3A_97 : i32
    %sign3A_99 = arith.extui %sign3A_98 : i1 to i32
    %sign3A_100 = arith.subi %sign3A_96, %sign3A_99 : i32
    %ne3A_101 = vector.broadcast %sign3A_100 : i32 to vector<16xi32>
    %ne3A_102 = arith.cmpi ne, %sign3A_93, %ne3A_101 : vector<16xi32>
    %rem3A_103 = vector.broadcast %jit3A_82 : i32 to vector<16xi32>
    %rem3A_104 = arith.remsi %add3A_81, %rem3A_103 : vector<16xi32>
    %ne3A_105 = arith.constant 0 : i32
    %ne3A_106 = vector.broadcast %ne3A_105 : i32 to vector<16xi32>
    %ne3A_107 = arith.cmpi ne, %rem3A_104, %ne3A_106 : vector<16xi32>
    %and3A_108 = arith.andi %ne3A_102, %ne3A_107 : vector<16xi1>
    %sub3A_109 = arith.constant 1 : i32
    %sub3A_110 = vector.broadcast %sub3A_109 : i32 to vector<16xi32>
    %sub3A_111 = arith.subi %div3A_84, %sub3A_110 : vector<16xi32>
    %select_n3A_112 = arith.select %and3A_108, %sub3A_111, %div3A_84 : vector<16xi1>, vector<16xi32>
    %mul3A_113 = arith.constant 4 : i32
    %mul3A_114 = vector.broadcast %mul3A_113 : i32 to vector<16xi32>
    %mul3A_115 = arith.muli %select_n3A_112, %mul3A_114 : vector<16xi32>
    %sub3A_116 = arith.subi %add3A_81, %mul3A_115 : vector<16xi32>
    %gather3A_117 = tpu.vector_load_idx %arg9[%select_n3A_112] : memref<48xi32, #tpu.memory_space<vmem>>[vector<16xi32>], vector<16xi32>,
    %gather3A_118 = tpu.vector_load_idx %arg7[%gather3A_117] : memref<1000xf32, #tpu.memory_space<vmem>>[vector<16xi32>], vector<16xf32>,
    %mul3A_119 = arith.constant 4 : i32
    %mul3A_120 = vector.broadcast %mul3A_119 : i32 to vector<16xi32>
    %mul3A_121 = arith.muli %gather3A_117, %mul3A_120 : vector<16xi32>
    %add3A_122 = arith.addi %mul3A_121, %sub3A_116 : vector<16xi32>
    %gather3A_123 = tpu.vector_load_idx %arg8[%add3A_122] : memref<4000xf32, #tpu.memory_space<vmem>>[vector<16xi32>], vector<16xf32>,
    %mul3A_124 = arith.mulf %gather3A_123, %gather3A_118 : vector<16xf32>
    %swap3A_125 = arith.constant 16 : index
    %swap3A_126 = tpu.vector_load %arg10[%swap3A_125] {strides = array<i32>} : memref<160xf32, #tpu.memory_space<vmem>>, vector<16xf32>,
    tpu.vector_store %arg10[%swap3A_125], %mul3A_124 {strides = array<i32>} : memref<160xf32, #tpu.memory_space<vmem>>, vector<16xf32>,
    %add3A_127 = arith.constant 32 : i32
    %add3A_128 = vector.broadcast %add3A_127 : i32 to vector<16xi32>
    %add3A_129 = arith.addi %add3A_128, %iota3A : vector<16xi32>
    %jit3A_130 = arith.constant 4 : i32
    %div3A_131 = vector.broadcast %jit3A_130 : i32 to vector<16xi32>
    %div3A_132 = arith.divsi %add3A_129, %div3A_131 : vector<16xi32>
    %sign3A_133 = arith.constant 0 : i32
    %sign3A_134 = vector.broadcast %sign3A_133 : i32 to vector<16xi32>
    %sign3A_135 = arith.cmpi sgt, %add3A_129, %sign3A_134 : vector<16xi32>
    %sign3A_136 = arith.extui %sign3A_135 : vector<16xi1> to vector<16xi32>
    %sign3A_137 = arith.constant 0 : i32
    %sign3A_138 = vector.broadcast %sign3A_137 : i32 to vector<16xi32>
    %sign3A_139 = arith.cmpi slt, %add3A_129, %sign3A_138 : vector<16xi32>
    %sign3A_140 = arith.extui %sign3A_139 : vector<16xi1> to vector<16xi32>
    %sign3A_141 = arith.subi %sign3A_136, %sign3A_140 : vector<16xi32>
    %sign3A_142 = arith.constant 0 : i32
    %sign3A_143 = arith.cmpi sgt, %jit3A_130, %sign3A_142 : i32
    %sign3A_144 = arith.extui %sign3A_143 : i1 to i32
    %sign3A_145 = arith.constant 0 : i32
    %sign3A_146 = arith.cmpi slt, %jit3A_130, %sign3A_145 : i32
    %sign3A_147 = arith.extui %sign3A_146 : i1 to i32
    %sign3A_148 = arith.subi %sign3A_144, %sign3A_147 : i32
    %ne3A_149 = vector.broadcast %sign3A_148 : i32 to vector<16xi32>
    %ne3A_150 = arith.cmpi ne, %sign3A_141, %ne3A_149 : vector<16xi32>
    %rem3A_151 = vector.broadcast %jit3A_130 : i32 to vector<16xi32>
    %rem3A_152 = arith.remsi %add3A_129, %rem3A_151 : vector<16xi32>
    %ne3A_153 = arith.constant 0 : i32
    %ne3A_154 = vector.broadcast %ne3A_153 : i32 to vector<16xi32>
    %ne3A_155 = arith.cmpi ne, %rem3A_152, %ne3A_154 : vector<16xi32>
    %and3A_156 = arith.andi %ne3A_150, %ne3A_155 : vector<16xi1>
    %sub3A_157 = arith.constant 1 : i32
    %sub3A_158 = vector.broadcast %sub3A_157 : i32 to vector<16xi32>
    %sub3A_159 = arith.subi %div3A_132, %sub3A_158 : vector<16xi32>
    %select_n3A_160 = arith.select %and3A_156, %sub3A_159, %div3A_132 : vector<16xi1>, vector<16xi32>
    %mul3A_161 = arith.constant 4 : i32
    %mul3A_162 = vector.broadcast %mul3A_161 : i32 to vector<16xi32>
    %mul3A_163 = arith.muli %select_n3A_160, %mul3A_162 : vector<16xi32>
    %sub3A_164 = arith.subi %add3A_129, %mul3A_163 : vector<16xi32>
    %gather3A_165 = tpu.vector_load_idx %arg9[%select_n3A_160] : memref<48xi32, #tpu.memory_space<vmem>>[vector<16xi32>], vector<16xi32>,
    %gather3A_166 = tpu.vector_load_idx %arg7[%gather3A_165] : memref<1000xf32, #tpu.memory_space<vmem>>[vector<16xi32>], vector<16xf32>,
    %mul3A_167 = arith.constant 4 : i32
    %mul3A_168 = vector.broadcast %mul3A_167 : i32 to vector<16xi32>
    %mul3A_169 = arith.muli %gather3A_165, %mul3A_168 : vector<16xi32>
    %add3A_170 = arith.addi %mul3A_169, %sub3A_164 : vector<16xi32>
    %gather3A_171 = tpu.vector_load_idx %arg8[%add3A_170] : memref<4000xf32, #tpu.memory_space<vmem>>[vector<16xi32>], vector<16xf32>,
    %mul3A_172 = arith.mulf %gather3A_171, %gather3A_166 : vector<16xf32>
    %swap3A_173 = arith.constant 32 : index
    %swap3A_174 = tpu.vector_load %arg10[%swap3A_173] {strides = array<i32>} : memref<160xf32, #tpu.memory_space<vmem>>, vector<16xf32>,
    tpu.vector_store %arg10[%swap3A_173], %mul3A_172 {strides = array<i32>} : memref<160xf32, #tpu.memory_space<vmem>>, vector<16xf32>,
    %add3A_175 = arith.constant 48 : i32
    %add3A_176 = vector.broadcast %add3A_175 : i32 to vector<16xi32>
    %add3A_177 = arith.addi %add3A_176, %iota3A : vector<16xi32>
    %jit3A_178 = arith.constant 4 : i32
    %div3A_179 = vector.broadcast %jit3A_178 : i32 to vector<16xi32>
    %div3A_180 = arith.divsi %add3A_177, %div3A_179 : vector<16xi32>
    %sign3A_181 = arith.constant 0 : i32
    %sign3A_182 = vector.broadcast %sign3A_181 : i32 to vector<16xi32>
    %sign3A_183 = arith.cmpi sgt, %add3A_177, %sign3A_182 : vector<16xi32>
    %sign3A_184 = arith.extui %sign3A_183 : vector<16xi1> to vector<16xi32>
    %sign3A_185 = arith.constant 0 : i32
    %sign3A_186 = vector.broadcast %sign3A_185 : i32 to vector<16xi32>
    %sign3A_187 = arith.cmpi slt, %add3A_177, %sign3A_186 : vector<16xi32>
    %sign3A_188 = arith.extui %sign3A_187 : vector<16xi1> to vector<16xi32>
    %sign3A_189 = arith.subi %sign3A_184, %sign3A_188 : vector<16xi32>
    %sign3A_190 = arith.constant 0 : i32
    %sign3A_191 = arith.cmpi sgt, %jit3A_178, %sign3A_190 : i32
    %sign3A_192 = arith.extui %sign3A_191 : i1 to i32
    %sign3A_193 = arith.constant 0 : i32
    %sign3A_194 = arith.cmpi slt, %jit3A_178, %sign3A_193 : i32
    %sign3A_195 = arith.extui %sign3A_194 : i1 to i32
    %sign3A_196 = arith.subi %sign3A_192, %sign3A_195 : i32
    %ne3A_197 = vector.broadcast %sign3A_196 : i32 to vector<16xi32>
    %ne3A_198 = arith.cmpi ne, %sign3A_189, %ne3A_197 : vector<16xi32>
    %rem3A_199 = vector.broadcast %jit3A_178 : i32 to vector<16xi32>
    %rem3A_200 = arith.remsi %add3A_177, %rem3A_199 : vector<16xi32>
    %ne3A_201 = arith.constant 0 : i32
    %ne3A_202 = vector.broadcast %ne3A_201 : i32 to vector<16xi32>
    %ne3A_203 = arith.cmpi ne, %rem3A_200, %ne3A_202 : vector<16xi32>
    %and3A_204 = arith.andi %ne3A_198, %ne3A_203 : vector<16xi1>
    %sub3A_205 = arith.constant 1 : i32
    %sub3A_206 = vector.broadcast %sub3A_205 : i32 to vector<16xi32>
    %sub3A_207 = arith.subi %div3A_180, %sub3A_206 : vector<16xi32>
    %select_n3A_208 = arith.select %and3A_204, %sub3A_207, %div3A_180 : vector<16xi1>, vector<16xi32>
    %mul3A_209 = arith.constant 4 : i32
    %mul3A_210 = vector.broadcast %mul3A_209 : i32 to vector<16xi32>
    %mul3A_211 = arith.muli %select_n3A_208, %mul3A_210 : vector<16xi32>
    %sub3A_212 = arith.subi %add3A_177, %mul3A_211 : vector<16xi32>
    %gather3A_213 = tpu.vector_load_idx %arg9[%select_n3A_208] : memref<48xi32, #tpu.memory_space<vmem>>[vector<16xi32>], vector<16xi32>,
    %gather3A_214 = tpu.vector_load_idx %arg7[%gather3A_213] : memref<1000xf32, #tpu.memory_space<vmem>>[vector<16xi32>], vector<16xf32>,
    %mul3A_215 = arith.constant 4 : i32
    %mul3A_216 = vector.broadcast %mul3A_215 : i32 to vector<16xi32>
    %mul3A_217 = arith.muli %gather3A_213, %mul3A_216 : vector<16xi32>
    %add3A_218 = arith.addi %mul3A_217, %sub3A_212 : vector<16xi32>
    %gather3A_219 = tpu.vector_load_idx %arg8[%add3A_218] : memref<4000xf32, #tpu.memory_space<vmem>>[vector<16xi32>], vector<16xf32>,
    %mul3A_220 = arith.mulf %gather3A_219, %gather3A_214 : vector<16xf32>
    %swap3A_221 = arith.constant 48 : index
    %swap3A_222 = tpu.vector_load %arg10[%swap3A_221] {strides = array<i32>} : memref<160xf32, #tpu.memory_space<vmem>>, vector<16xf32>,
    tpu.vector_store %arg10[%swap3A_221], %mul3A_220 {strides = array<i32>} : memref<160xf32, #tpu.memory_space<vmem>>, vector<16xf32>,
    %add3A_223 = arith.constant 64 : i32
    %add3A_224 = vector.broadcast %add3A_223 : i32 to vector<16xi32>
    %add3A_225 = arith.addi %add3A_224, %iota3A : vector<16xi32>
    %jit3A_226 = arith.constant 4 : i32
    %div3A_227 = vector.broadcast %jit3A_226 : i32 to vector<16xi32>
    %div3A_228 = arith.divsi %add3A_225, %div3A_227 : vector<16xi32>
    %sign3A_229 = arith.constant 0 : i32
    %sign3A_230 = vector.broadcast %sign3A_229 : i32 to vector<16xi32>
    %sign3A_231 = arith.cmpi sgt, %add3A_225, %sign3A_230 : vector<16xi32>
    %sign3A_232 = arith.extui %sign3A_231 : vector<16xi1> to vector<16xi32>
    %sign3A_233 = arith.constant 0 : i32
    %sign3A_234 = vector.broadcast %sign3A_233 : i32 to vector<16xi32>
    %sign3A_235 = arith.cmpi slt, %add3A_225, %sign3A_234 : vector<16xi32>
    %sign3A_236 = arith.extui %sign3A_235 : vector<16xi1> to vector<16xi32>
    %sign3A_237 = arith.subi %sign3A_232, %sign3A_236 : vector<16xi32>
    %sign3A_238 = arith.constant 0 : i32
    %sign3A_239 = arith.cmpi sgt, %jit3A_226, %sign3A_238 : i32
    %sign3A_240 = arith.extui %sign3A_239 : i1 to i32
    %sign3A_241 = arith.constant 0 : i32
    %sign3A_242 = arith.cmpi slt, %jit3A_226, %sign3A_241 : i32
    %sign3A_243 = arith.extui %sign3A_242 : i1 to i32
    %sign3A_244 = arith.subi %sign3A_240, %sign3A_243 : i32
    %ne3A_245 = vector.broadcast %sign3A_244 : i32 to vector<16xi32>
    %ne3A_246 = arith.cmpi ne, %sign3A_237, %ne3A_245 : vector<16xi32>
    %rem3A_247 = vector.broadcast %jit3A_226 : i32 to vector<16xi32>
    %rem3A_248 = arith.remsi %add3A_225, %rem3A_247 : vector<16xi32>
    %ne3A_249 = arith.constant 0 : i32
    %ne3A_250 = vector.broadcast %ne3A_249 : i32 to vector<16xi32>
    %ne3A_251 = arith.cmpi ne, %rem3A_248, %ne3A_250 : vector<16xi32>
    %and3A_252 = arith.andi %ne3A_246, %ne3A_251 : vector<16xi1>
    %sub3A_253 = arith.constant 1 : i32
    %sub3A_254 = vector.broadcast %sub3A_253 : i32 to vector<16xi32>
    %sub3A_255 = arith.subi %div3A_228, %sub3A_254 : vector<16xi32>
    %select_n3A_256 = arith.select %and3A_252, %sub3A_255, %div3A_228 : vector<16xi1>, vector<16xi32>
    %mul3A_257 = arith.constant 4 : i32
    %mul3A_258 = vector.broadcast %mul3A_257 : i32 to vector<16xi32>
    %mul3A_259 = arith.muli %select_n3A_256, %mul3A_258 : vector<16xi32>
    %sub3A_260 = arith.subi %add3A_225, %mul3A_259 : vector<16xi32>
    %gather3A_261 = tpu.vector_load_idx %arg9[%select_n3A_256] : memref<48xi32, #tpu.memory_space<vmem>>[vector<16xi32>], vector<16xi32>,
    %gather3A_262 = tpu.vector_load_idx %arg7[%gather3A_261] : memref<1000xf32, #tpu.memory_space<vmem>>[vector<16xi32>], vector<16xf32>,
    %mul3A_263 = arith.constant 4 : i32
    %mul3A_264 = vector.broadcast %mul3A_263 : i32 to vector<16xi32>
    %mul3A_265 = arith.muli %gather3A_261, %mul3A_264 : vector<16xi32>
    %add3A_266 = arith.addi %mul3A_265, %sub3A_260 : vector<16xi32>
    %gather3A_267 = tpu.vector_load_idx %arg8[%add3A_266] : memref<4000xf32, #tpu.memory_space<vmem>>[vector<16xi32>], vector<16xf32>,
    %mul3A_268 = arith.mulf %gather3A_267, %gather3A_262 : vector<16xf32>
    %swap3A_269 = arith.constant 64 : index
    %swap3A_270 = tpu.vector_load %arg10[%swap3A_269] {strides = array<i32>} : memref<160xf32, #tpu.memory_space<vmem>>, vector<16xf32>,
    tpu.vector_store %arg10[%swap3A_269], %mul3A_268 {strides = array<i32>} : memref<160xf32, #tpu.memory_space<vmem>>, vector<16xf32>,
    %add3A_271 = arith.constant 80 : i32
    %add3A_272 = vector.broadcast %add3A_271 : i32 to vector<16xi32>
    %add3A_273 = arith.addi %add3A_272, %iota3A : vector<16xi32>
    %jit3A_274 = arith.constant 4 : i32
    %div3A_275 = vector.broadcast %jit3A_274 : i32 to vector<16xi32>
    %div3A_276 = arith.divsi %add3A_273, %div3A_275 : vector<16xi32>
    %sign3A_277 = arith.constant 0 : i32
    %sign3A_278 = vector.broadcast %sign3A_277 : i32 to vector<16xi32>
    %sign3A_279 = arith.cmpi sgt, %add3A_273, %sign3A_278 : vector<16xi32>
    %sign3A_280 = arith.extui %sign3A_279 : vector<16xi1> to vector<16xi32>
    %sign3A_281 = arith.constant 0 : i32
    %sign3A_282 = vector.broadcast %sign3A_281 : i32 to vector<16xi32>
    %sign3A_283 = arith.cmpi slt, %add3A_273, %sign3A_282 : vector<16xi32>
    %sign3A_284 = arith.extui %sign3A_283 : vector<16xi1> to vector<16xi32>
    %sign3A_285 = arith.subi %sign3A_280, %sign3A_284 : vector<16xi32>
    %sign3A_286 = arith.constant 0 : i32
    %sign3A_287 = arith.cmpi sgt, %jit3A_274, %sign3A_286 : i32
    %sign3A_288 = arith.extui %sign3A_287 : i1 to i32
    %sign3A_289 = arith.constant 0 : i32
    %sign3A_290 = arith.cmpi slt, %jit3A_274, %sign3A_289 : i32
    %sign3A_291 = arith.extui %sign3A_290 : i1 to i32
    %sign3A_292 = arith.subi %sign3A_288, %sign3A_291 : i32
    %ne3A_293 = vector.broadcast %sign3A_292 : i32 to vector<16xi32>
    %ne3A_294 = arith.cmpi ne, %sign3A_285, %ne3A_293 : vector<16xi32>
    %rem3A_295 = vector.broadcast %jit3A_274 : i32 to vector<16xi32>
    %rem3A_296 = arith.remsi %add3A_273, %rem3A_295 : vector<16xi32>
    %ne3A_297 = arith.constant 0 : i32
    %ne3A_298 = vector.broadcast %ne3A_297 : i32 to vector<16xi32>
    %ne3A_299 = arith.cmpi ne, %rem3A_296, %ne3A_298 : vector<16xi32>
    %and3A_300 = arith.andi %ne3A_294, %ne3A_299 : vector<16xi1>
    %sub3A_301 = arith.constant 1 : i32
    %sub3A_302 = vector.broadcast %sub3A_301 : i32 to vector<16xi32>
    %sub3A_303 = arith.subi %div3A_276, %sub3A_302 : vector<16xi32>
    %select_n3A_304 = arith.select %and3A_300, %sub3A_303, %div3A_276 : vector<16xi1>, vector<16xi32>
    %mul3A_305 = arith.constant 4 : i32
    %mul3A_306 = vector.broadcast %mul3A_305 : i32 to vector<16xi32>
    %mul3A_307 = arith.muli %select_n3A_304, %mul3A_306 : vector<16xi32>
    %sub3A_308 = arith.subi %add3A_273, %mul3A_307 : vector<16xi32>
    %gather3A_309 = tpu.vector_load_idx %arg9[%select_n3A_304] : memref<48xi32, #tpu.memory_space<vmem>>[vector<16xi32>], vector<16xi32>,
    %gather3A_310 = tpu.vector_load_idx %arg7[%gather3A_309] : memref<1000xf32, #tpu.memory_space<vmem>>[vector<16xi32>], vector<16xf32>,
    %mul3A_311 = arith.constant 4 : i32
    %mul3A_312 = vector.broadcast %mul3A_311 : i32 to vector<16xi32>
    %mul3A_313 = arith.muli %gather3A_309, %mul3A_312 : vector<16xi32>
    %add3A_314 = arith.addi %mul3A_313, %sub3A_308 : vector<16xi32>
    %gather3A_315 = tpu.vector_load_idx %arg8[%add3A_314] : memref<4000xf32, #tpu.memory_space<vmem>>[vector<16xi32>], vector<16xf32>,
    %mul3A_316 = arith.mulf %gather3A_315, %gather3A_310 : vector<16xf32>
    %swap3A_317 = arith.constant 80 : index
    %swap3A_318 = tpu.vector_load %arg10[%swap3A_317] {strides = array<i32>} : memref<160xf32, #tpu.memory_space<vmem>>, vector<16xf32>,
    tpu.vector_store %arg10[%swap3A_317], %mul3A_316 {strides = array<i32>} : memref<160xf32, #tpu.memory_space<vmem>>, vector<16xf32>,
    %add3A_319 = arith.constant 96 : i32
    %add3A_320 = vector.broadcast %add3A_319 : i32 to vector<16xi32>
    %add3A_321 = arith.addi %add3A_320, %iota3A : vector<16xi32>
    %jit3A_322 = arith.constant 4 : i32
    %div3A_323 = vector.broadcast %jit3A_322 : i32 to vector<16xi32>
    %div3A_324 = arith.divsi %add3A_321, %div3A_323 : vector<16xi32>
    %sign3A_325 = arith.constant 0 : i32
    %sign3A_326 = vector.broadcast %sign3A_325 : i32 to vector<16xi32>
    %sign3A_327 = arith.cmpi sgt, %add3A_321, %sign3A_326 : vector<16xi32>
    %sign3A_328 = arith.extui %sign3A_327 : vector<16xi1> to vector<16xi32>
    %sign3A_329 = arith.constant 0 : i32
    %sign3A_330 = vector.broadcast %sign3A_329 : i32 to vector<16xi32>
    %sign3A_331 = arith.cmpi slt, %add3A_321, %sign3A_330 : vector<16xi32>
    %sign3A_332 = arith.extui %sign3A_331 : vector<16xi1> to vector<16xi32>
    %sign3A_333 = arith.subi %sign3A_328, %sign3A_332 : vector<16xi32>
    %sign3A_334 = arith.constant 0 : i32
    %sign3A_335 = arith.cmpi sgt, %jit3A_322, %sign3A_334 : i32
    %sign3A_336 = arith.extui %sign3A_335 : i1 to i32
    %sign3A_337 = arith.constant 0 : i32
    %sign3A_338 = arith.cmpi slt, %jit3A_322, %sign3A_337 : i32
    %sign3A_339 = arith.extui %sign3A_338 : i1 to i32
    %sign3A_340 = arith.subi %sign3A_336, %sign3A_339 : i32
    %ne3A_341 = vector.broadcast %sign3A_340 : i32 to vector<16xi32>
    %ne3A_342 = arith.cmpi ne, %sign3A_333, %ne3A_341 : vector<16xi32>
    %rem3A_343 = vector.broadcast %jit3A_322 : i32 to vector<16xi32>
    %rem3A_344 = arith.remsi %add3A_321, %rem3A_343 : vector<16xi32>
    %ne3A_345 = arith.constant 0 : i32
    %ne3A_346 = vector.broadcast %ne3A_345 : i32 to vector<16xi32>
    %ne3A_347 = arith.cmpi ne, %rem3A_344, %ne3A_346 : vector<16xi32>
    %and3A_348 = arith.andi %ne3A_342, %ne3A_347 : vector<16xi1>
    %sub3A_349 = arith.constant 1 : i32
    %sub3A_350 = vector.broadcast %sub3A_349 : i32 to vector<16xi32>
    %sub3A_351 = arith.subi %div3A_324, %sub3A_350 : vector<16xi32>
    %select_n3A_352 = arith.select %and3A_348, %sub3A_351, %div3A_324 : vector<16xi1>, vector<16xi32>
    %mul3A_353 = arith.constant 4 : i32
    %mul3A_354 = vector.broadcast %mul3A_353 : i32 to vector<16xi32>
    %mul3A_355 = arith.muli %select_n3A_352, %mul3A_354 : vector<16xi32>
    %sub3A_356 = arith.subi %add3A_321, %mul3A_355 : vector<16xi32>
    %gather3A_357 = tpu.vector_load_idx %arg9[%select_n3A_352] : memref<48xi32, #tpu.memory_space<vmem>>[vector<16xi32>], vector<16xi32>,
    %gather3A_358 = tpu.vector_load_idx %arg7[%gather3A_357] : memref<1000xf32, #tpu.memory_space<vmem>>[vector<16xi32>], vector<16xf32>,
    %mul3A_359 = arith.constant 4 : i32
    %mul3A_360 = vector.broadcast %mul3A_359 : i32 to vector<16xi32>
    %mul3A_361 = arith.muli %gather3A_357, %mul3A_360 : vector<16xi32>
    %add3A_362 = arith.addi %mul3A_361, %sub3A_356 : vector<16xi32>
    %gather3A_363 = tpu.vector_load_idx %arg8[%add3A_362] : memref<4000xf32, #tpu.memory_space<vmem>>[vector<16xi32>], vector<16xf32>,
    %mul3A_364 = arith.mulf %gather3A_363, %gather3A_358 : vector<16xf32>
    %swap3A_365 = arith.constant 96 : index
    %swap3A_366 = tpu.vector_load %arg10[%swap3A_365] {strides = array<i32>} : memref<160xf32, #tpu.memory_space<vmem>>, vector<16xf32>,
    tpu.vector_store %arg10[%swap3A_365], %mul3A_364 {strides = array<i32>} : memref<160xf32, #tpu.memory_space<vmem>>, vector<16xf32>,
    %add3A_367 = arith.constant 112 : i32
    %add3A_368 = vector.broadcast %add3A_367 : i32 to vector<16xi32>
    %add3A_369 = arith.addi %add3A_368, %iota3A : vector<16xi32>
    %jit3A_370 = arith.constant 4 : i32
    %div3A_371 = vector.broadcast %jit3A_370 : i32 to vector<16xi32>
    %div3A_372 = arith.divsi %add3A_369, %div3A_371 : vector<16xi32>
    %sign3A_373 = arith.constant 0 : i32
    %sign3A_374 = vector.broadcast %sign3A_373 : i32 to vector<16xi32>
    %sign3A_375 = arith.cmpi sgt, %add3A_369, %sign3A_374 : vector<16xi32>
    %sign3A_376 = arith.extui %sign3A_375 : vector<16xi1> to vector<16xi32>
    %sign3A_377 = arith.constant 0 : i32
    %sign3A_378 = vector.broadcast %sign3A_377 : i32 to vector<16xi32>
    %sign3A_379 = arith.cmpi slt, %add3A_369, %sign3A_378 : vector<16xi32>
    %sign3A_380 = arith.extui %sign3A_379 : vector<16xi1> to vector<16xi32>
    %sign3A_381 = arith.subi %sign3A_376, %sign3A_380 : vector<16xi32>
    %sign3A_382 = arith.constant 0 : i32
    %sign3A_383 = arith.cmpi sgt, %jit3A_370, %sign3A_382 : i32
    %sign3A_384 = arith.extui %sign3A_383 : i1 to i32
    %sign3A_385 = arith.constant 0 : i32
    %sign3A_386 = arith.cmpi slt, %jit3A_370, %sign3A_385 : i32
    %sign3A_387 = arith.extui %sign3A_386 : i1 to i32
    %sign3A_388 = arith.subi %sign3A_384, %sign3A_387 : i32
    %ne3A_389 = vector.broadcast %sign3A_388 : i32 to vector<16xi32>
    %ne3A_390 = arith.cmpi ne, %sign3A_381, %ne3A_389 : vector<16xi32>
    %rem3A_391 = vector.broadcast %jit3A_370 : i32 to vector<16xi32>
    %rem3A_392 = arith.remsi %add3A_369, %rem3A_391 : vector<16xi32>
    %ne3A_393 = arith.constant 0 : i32
    %ne3A_394 = vector.broadcast %ne3A_393 : i32 to vector<16xi32>
    %ne3A_395 = arith.cmpi ne, %rem3A_392, %ne3A_394 : vector<16xi32>
    %and3A_396 = arith.andi %ne3A_390, %ne3A_395 : vector<16xi1>
    %sub3A_397 = arith.constant 1 : i32
    %sub3A_398 = vector.broadcast %sub3A_397 : i32 to vector<16xi32>
    %sub3A_399 = arith.subi %div3A_372, %sub3A_398 : vector<16xi32>
    %select_n3A_400 = arith.select %and3A_396, %sub3A_399, %div3A_372 : vector<16xi1>, vector<16xi32>
    %mul3A_401 = arith.constant 4 : i32
    %mul3A_402 = vector.broadcast %mul3A_401 : i32 to vector<16xi32>
    %mul3A_403 = arith.muli %select_n3A_400, %mul3A_402 : vector<16xi32>
    %sub3A_404 = arith.subi %add3A_369, %mul3A_403 : vector<16xi32>
    %gather3A_405 = tpu.vector_load_idx %arg9[%select_n3A_400] : memref<48xi32, #tpu.memory_space<vmem>>[vector<16xi32>], vector<16xi32>,
    %gather3A_406 = tpu.vector_load_idx %arg7[%gather3A_405] : memref<1000xf32, #tpu.memory_space<vmem>>[vector<16xi32>], vector<16xf32>,
    %mul3A_407 = arith.constant 4 : i32
    %mul3A_408 = vector.broadcast %mul3A_407 : i32 to vector<16xi32>
    %mul3A_409 = arith.muli %gather3A_405, %mul3A_408 : vector<16xi32>
    %add3A_410 = arith.addi %mul3A_409, %sub3A_404 : vector<16xi32>
    %gather3A_411 = tpu.vector_load_idx %arg8[%add3A_410] : memref<4000xf32, #tpu.memory_space<vmem>>[vector<16xi32>], vector<16xf32>,
    %mul3A_412 = arith.mulf %gather3A_411, %gather3A_406 : vector<16xf32>
    %swap3A_413 = arith.constant 112 : index
    %swap3A_414 = tpu.vector_load %arg10[%swap3A_413] {strides = array<i32>} : memref<160xf32, #tpu.memory_space<vmem>>, vector<16xf32>,
    tpu.vector_store %arg10[%swap3A_413], %mul3A_412 {strides = array<i32>} : memref<160xf32, #tpu.memory_space<vmem>>, vector<16xf32>,
    %add3A_415 = arith.constant 128 : i32
    %add3A_416 = vector.broadcast %add3A_415 : i32 to vector<16xi32>
    %add3A_417 = arith.addi %add3A_416, %iota3A : vector<16xi32>
    %jit3A_418 = arith.constant 4 : i32
    %div3A_419 = vector.broadcast %jit3A_418 : i32 to vector<16xi32>
    %div3A_420 = arith.divsi %add3A_417, %div3A_419 : vector<16xi32>
    %sign3A_421 = arith.constant 0 : i32
    %sign3A_422 = vector.broadcast %sign3A_421 : i32 to vector<16xi32>
    %sign3A_423 = arith.cmpi sgt, %add3A_417, %sign3A_422 : vector<16xi32>
    %sign3A_424 = arith.extui %sign3A_423 : vector<16xi1> to vector<16xi32>
    %sign3A_425 = arith.constant 0 : i32
    %sign3A_426 = vector.broadcast %sign3A_425 : i32 to vector<16xi32>
    %sign3A_427 = arith.cmpi slt, %add3A_417, %sign3A_426 : vector<16xi32>
    %sign3A_428 = arith.extui %sign3A_427 : vector<16xi1> to vector<16xi32>
    %sign3A_429 = arith.subi %sign3A_424, %sign3A_428 : vector<16xi32>
    %sign3A_430 = arith.constant 0 : i32
    %sign3A_431 = arith.cmpi sgt, %jit3A_418, %sign3A_430 : i32
    %sign3A_432 = arith.extui %sign3A_431 : i1 to i32
    %sign3A_433 = arith.constant 0 : i32
    %sign3A_434 = arith.cmpi slt, %jit3A_418, %sign3A_433 : i32
    %sign3A_435 = arith.extui %sign3A_434 : i1 to i32
    %sign3A_436 = arith.subi %sign3A_432, %sign3A_435 : i32
    %ne3A_437 = vector.broadcast %sign3A_436 : i32 to vector<16xi32>
    %ne3A_438 = arith.cmpi ne, %sign3A_429, %ne3A_437 : vector<16xi32>
    %rem3A_439 = vector.broadcast %jit3A_418 : i32 to vector<16xi32>
    %rem3A_440 = arith.remsi %add3A_417, %rem3A_439 : vector<16xi32>
    %ne3A_441 = arith.constant 0 : i32
    %ne3A_442 = vector.broadcast %ne3A_441 : i32 to vector<16xi32>
    %ne3A_443 = arith.cmpi ne, %rem3A_440, %ne3A_442 : vector<16xi32>
    %and3A_444 = arith.andi %ne3A_438, %ne3A_443 : vector<16xi1>
    %sub3A_445 = arith.constant 1 : i32
    %sub3A_446 = vector.broadcast %sub3A_445 : i32 to vector<16xi32>
    %sub3A_447 = arith.subi %div3A_420, %sub3A_446 : vector<16xi32>
    %select_n3A_448 = arith.select %and3A_444, %sub3A_447, %div3A_420 : vector<16xi1>, vector<16xi32>
    %mul3A_449 = arith.constant 4 : i32
    %mul3A_450 = vector.broadcast %mul3A_449 : i32 to vector<16xi32>
    %mul3A_451 = arith.muli %select_n3A_448, %mul3A_450 : vector<16xi32>
    %sub3A_452 = arith.subi %add3A_417, %mul3A_451 : vector<16xi32>
    %gather3A_453 = tpu.vector_load_idx %arg9[%select_n3A_448] : memref<48xi32, #tpu.memory_space<vmem>>[vector<16xi32>], vector<16xi32>,
    %gather3A_454 = tpu.vector_load_idx %arg7[%gather3A_453] : memref<1000xf32, #tpu.memory_space<vmem>>[vector<16xi32>], vector<16xf32>,
    %mul3A_455 = arith.constant 4 : i32
    %mul3A_456 = vector.broadcast %mul3A_455 : i32 to vector<16xi32>
    %mul3A_457 = arith.muli %gather3A_453, %mul3A_456 : vector<16xi32>
    %add3A_458 = arith.addi %mul3A_457, %sub3A_452 : vector<16xi32>
    %gather3A_459 = tpu.vector_load_idx %arg8[%add3A_458] : memref<4000xf32, #tpu.memory_space<vmem>>[vector<16xi32>], vector<16xf32>,
    %mul3A_460 = arith.mulf %gather3A_459, %gather3A_454 : vector<16xf32>
    %swap3A_461 = arith.constant 128 : index
    %swap3A_462 = tpu.vector_load %arg10[%swap3A_461] {strides = array<i32>} : memref<160xf32, #tpu.memory_space<vmem>>, vector<16xf32>,
    tpu.vector_store %arg10[%swap3A_461], %mul3A_460 {strides = array<i32>} : memref<160xf32, #tpu.memory_space<vmem>>, vector<16xf32>,
    %add3A_463 = arith.constant 144 : i32
    %add3A_464 = vector.broadcast %add3A_463 : i32 to vector<16xi32>
    %add3A_465 = arith.addi %add3A_464, %iota3A : vector<16xi32>
    %jit3A_466 = arith.constant 4 : i32
    %div3A_467 = vector.broadcast %jit3A_466 : i32 to vector<16xi32>
    %div3A_468 = arith.divsi %add3A_465, %div3A_467 : vector<16xi32>
    %sign3A_469 = arith.constant 0 : i32
    %sign3A_470 = vector.broadcast %sign3A_469 : i32 to vector<16xi32>
    %sign3A_471 = arith.cmpi sgt, %add3A_465, %sign3A_470 : vector<16xi32>
    %sign3A_472 = arith.extui %sign3A_471 : vector<16xi1> to vector<16xi32>
    %sign3A_473 = arith.constant 0 : i32
    %sign3A_474 = vector.broadcast %sign3A_473 : i32 to vector<16xi32>
    %sign3A_475 = arith.cmpi slt, %add3A_465, %sign3A_474 : vector<16xi32>
    %sign3A_476 = arith.extui %sign3A_475 : vector<16xi1> to vector<16xi32>
    %sign3A_477 = arith.subi %sign3A_472, %sign3A_476 : vector<16xi32>
    %sign3A_478 = arith.constant 0 : i32
    %sign3A_479 = arith.cmpi sgt, %jit3A_466, %sign3A_478 : i32
    %sign3A_480 = arith.extui %sign3A_479 : i1 to i32
    %sign3A_481 = arith.constant 0 : i32
    %sign3A_482 = arith.cmpi slt, %jit3A_466, %sign3A_481 : i32
    %sign3A_483 = arith.extui %sign3A_482 : i1 to i32
    %sign3A_484 = arith.subi %sign3A_480, %sign3A_483 : i32
    %ne3A_485 = vector.broadcast %sign3A_484 : i32 to vector<16xi32>
    %ne3A_486 = arith.cmpi ne, %sign3A_477, %ne3A_485 : vector<16xi32>
    %rem3A_487 = vector.broadcast %jit3A_466 : i32 to vector<16xi32>
    %rem3A_488 = arith.remsi %add3A_465, %rem3A_487 : vector<16xi32>
    %ne3A_489 = arith.constant 0 : i32
    %ne3A_490 = vector.broadcast %ne3A_489 : i32 to vector<16xi32>
    %ne3A_491 = arith.cmpi ne, %rem3A_488, %ne3A_490 : vector<16xi32>
    %and3A_492 = arith.andi %ne3A_486, %ne3A_491 : vector<16xi1>
    %sub3A_493 = arith.constant 1 : i32
    %sub3A_494 = vector.broadcast %sub3A_493 : i32 to vector<16xi32>
    %sub3A_495 = arith.subi %div3A_468, %sub3A_494 : vector<16xi32>
    %select_n3A_496 = arith.select %and3A_492, %sub3A_495, %div3A_468 : vector<16xi1>, vector<16xi32>
    %mul3A_497 = arith.constant 4 : i32
    %mul3A_498 = vector.broadcast %mul3A_497 : i32 to vector<16xi32>
    %mul3A_499 = arith.muli %select_n3A_496, %mul3A_498 : vector<16xi32>
    %sub3A_500 = arith.subi %add3A_465, %mul3A_499 : vector<16xi32>
    %gather3A_501 = tpu.vector_load_idx %arg9[%select_n3A_496] : memref<48xi32, #tpu.memory_space<vmem>>[vector<16xi32>], vector<16xi32>,
    %gather3A_502 = tpu.vector_load_idx %arg7[%gather3A_501] : memref<1000xf32, #tpu.memory_space<vmem>>[vector<16xi32>], vector<16xf32>,
    %mul3A_503 = arith.constant 4 : i32
    %mul3A_504 = vector.broadcast %mul3A_503 : i32 to vector<16xi32>
    %mul3A_505 = arith.muli %gather3A_501, %mul3A_504 : vector<16xi32>
    %add3A_506 = arith.addi %mul3A_505, %sub3A_500 : vector<16xi32>
    %gather3A_507 = tpu.vector_load_idx %arg8[%add3A_506] : memref<4000xf32, #tpu.memory_space<vmem>>[vector<16xi32>], vector<16xf32>,
    %mul3A_508 = arith.mulf %gather3A_507, %gather3A_502 : vector<16xf32>
    %swap3A_509 = arith.constant 144 : index
    %swap3A_510 = tpu.vector_load %arg10[%swap3A_509] {strides = array<i32>} : memref<160xf32, #tpu.memory_space<vmem>>, vector<16xf32>,
    tpu.vector_store %arg10[%swap3A_509], %mul3A_508 {strides = array<i32>} : memref<160xf32, #tpu.memory_space<vmem>>, vector<16xf32>,
    %mul3A_511 = arith.constant 40 : i32
    %mul3A_512 = arith.muli %add3A, %mul3A_511 : i32
    %mul3A_513 = arith.constant 4 : i32
    %mul3A_514 = arith.muli %mul3A_512, %mul3A_513 : i32
    "tpu.region"() ({
      %run_scoped3A = tpu.sem_alloc : memref<!tpu.dma_semaphore, #tpu.memory_space<semaphore_mem>>
      %dma_start3A = tpu.memref_slice %arg5[%mul3A_514] : memref<5120xf32, #tpu.memory_space<hbm>> -> memref<160xf32, #tpu.memory_space<hbm>>
      %dma_start3A_515 = tpu.memref_slice %arg5[%mul3A_514] : memref<5120xf32, #tpu.memory_space<hbm>> -> memref<160xf32, #tpu.memory_space<hbm>>
      tpu.enqueue_dma source(%arg10 : memref<160xf32, #tpu.memory_space<vmem>>) target(%dma_start3A_515 : memref<160xf32, #tpu.memory_space<hbm>>) target_semaphore(%run_scoped3A : memref<!tpu.dma_semaphore, #tpu.memory_space<semaphore_mem>>)
      %dma_wait3A = tpu.memref_slice %arg5[%mul3A_514] : memref<5120xf32, #tpu.memory_space<hbm>> -> memref<160xf32, #tpu.memory_space<hbm>>
      %dma_wait3A_516 = tpu.memref_slice %arg5[%mul3A_514] : memref<5120xf32, #tpu.memory_space<hbm>> -> memref<160xf32, #tpu.memory_space<hbm>>
      tpu.wait_dma2 semaphore(%run_scoped3A : memref<!tpu.dma_semaphore, #tpu.memory_space<semaphore_mem>>) src(%arg10 : memref<160xf32, #tpu.memory_space<vmem>>) dst(%dma_wait3A_516 : memref<160xf32, #tpu.memory_space<hbm>>)
      tpu.yield
    }) : () -> ()
    return
  }
}

module attributes {stable_mosaic.version = 14 : i64} {
  func.func @_query_kernel(%arg0: i32, %arg1: memref<1x20x1024xf32, #tpu.memory_space<vmem>>, %arg2: memref<1x1x20xf32, #tpu.memory_space<vmem>>, %arg3: memref<1024x1024xbf16, #tpu.memory_space<vmem>>, %arg4: memref<1x1024xf32, #tpu.memory_space<vmem>>, %arg5: memref<1x1024xbf16, #tpu.memory_space<vmem>>, %arg6: memref<1x1x1024xbf16, #tpu.memory_space<vmem>>) attributes {dimension_semantics = [#tpu.dimension_semantics<arbitrary>], iteration_bounds = array<i64: 32>, scalar_prefetch = 0 : i64, scratch_operands = 0 : i64, tpu.core_type = #tpu.core_type<tc>, window_params = [{transform_indices = @transform_0, window_bounds = array<i64: 1, 20, 1024>}, {transform_indices = @transform_1, window_bounds = array<i64: 1, 1, 20>}, {pipeline_mode = #tpu.pipeline_mode<synchronous>, transform_indices = @transform_2, window_bounds = array<i64: 1024, 1024>}, {pipeline_mode = #tpu.pipeline_mode<synchronous>, transform_indices = @transform_3, window_bounds = array<i64: 1, 1024>}, {pipeline_mode = #tpu.pipeline_mode<synchronous>, transform_indices = @transform_4, window_bounds = array<i64: 1, 1024>}, {transform_indices = @transform_5, window_bounds = array<i64: 1, 1, 1024>}]} {
    %get3A = arith.constant 0 : index
    %get3A_0 = arith.constant 0 : index
    %get3A_1 = arith.constant 0 : index
    %get3A_2 = vector.load %arg1[%get3A, %get3A_0, %get3A_1] : memref<1x20x1024xf32, #tpu.memory_space<vmem>>, vector<1x20x1024xf32>
    %get3A_3 = vector.shape_cast %get3A_2 : vector<1x20x1024xf32> to vector<20x1024xf32>
    %convert_element_type3A = arith.truncf %get3A_3 : vector<20x1024xf32> to vector<20x1024xbf16>
    %get3A_4 = arith.constant 0 : index
    %get3A_5 = arith.constant 0 : index
    %get3A_6 = arith.constant 0 : index
    %get3A_7 = vector.load %arg2[%get3A_4, %get3A_5, %get3A_6] : memref<1x1x20xf32, #tpu.memory_space<vmem>>, vector<1x1x20xf32>
    %get3A_8 = vector.shape_cast %get3A_7 : vector<1x1x20xf32> to vector<1x20xf32>
    %get3A_9 = arith.constant 0 : index
    %get3A_10 = arith.constant 0 : index
    %get3A_11 = vector.load %arg3[%get3A_9, %get3A_10] : memref<1024x1024xbf16, #tpu.memory_space<vmem>>, vector<1024x1024xbf16>
    %dot_general3A = arith.constant dense<0.000000e+00> : vector<20x1024xf32>
    %dot_general3A_12 = tpu.matmul %convert_element_type3A, %get3A_11, %dot_general3A {dimension_numbers = #tpu.dot_dimension_numbers<[1], [1], [0], [0], [0, 0, 1, 0], [], []>, transpose_lhs_hint = false} : vector<20x1024xbf16>, vector<1024x1024xbf16>, vector<20x1024xf32> -> vector<20x1024xf32>
    %get3A_13 = arith.constant 0 : index
    %get3A_14 = arith.constant 0 : index
    %get3A_15 = vector.load %arg4[%get3A_13, %get3A_14] : memref<1x1024xf32, #tpu.memory_space<vmem>>, vector<1x1024xf32>
    %add3A = vector.broadcast %get3A_15 : vector<1x1024xf32> to vector<20x1024xf32>
    %add3A_16 = arith.addf %dot_general3A_12, %add3A : vector<20x1024xf32>
    %convert_element_type3A_17 = arith.truncf %add3A_16 : vector<20x1024xf32> to vector<20x1024xbf16>
    %get3A_18 = arith.constant 0 : index
    %get3A_19 = arith.constant 0 : index
    %get3A_20 = vector.load %arg5[%get3A_18, %get3A_19] : memref<1x1024xbf16, #tpu.memory_space<vmem>>, vector<1x1024xbf16>
    %dot_general3A_21 = arith.constant dense<0.000000e+00> : vector<1x20xf32>
    %dot_general3A_22 = tpu.matmul %get3A_20, %convert_element_type3A_17, %dot_general3A_21 {dimension_numbers = #tpu.dot_dimension_numbers<[1], [1], [0], [0], [0, 0, 1, 0], [], []>, transpose_lhs_hint = false} : vector<1x1024xbf16>, vector<20x1024xbf16>, vector<1x20xf32> -> vector<1x20xf32>
    %reduce_max3A = arith.constant dense<0xFF800000> : vector<1xf32>
    %reduce_max3A_23 = vector.multi_reduction <maximumf>, %dot_general3A_22, %reduce_max3A [1] : vector<1x20xf32> to vector<1xf32>
    %broadcast_in_dim3A = vector.shape_cast %reduce_max3A_23 : vector<1xf32> to vector<1x1xf32>
    %sub3A = vector.broadcast %broadcast_in_dim3A : vector<1x1xf32> to vector<1x20xf32>
    %sub3A_24 = arith.subf %dot_general3A_22, %sub3A : vector<1x20xf32>
    %exp3A = math.exp %sub3A_24 : vector<1x20xf32>
    %reduce_sum3A = arith.constant dense<0.000000e+00> : vector<1xf32>
    %reduce_sum3A_25 = vector.multi_reduction <add>, %exp3A, %reduce_sum3A [1] : vector<1x20xf32> to vector<1xf32>
    %broadcast_in_dim3A_26 = vector.shape_cast %reduce_sum3A_25 : vector<1xf32> to vector<1x1xf32>
    %div3A = vector.broadcast %broadcast_in_dim3A_26 : vector<1x1xf32> to vector<1x20xf32>
    %div3A_27 = arith.divf %exp3A, %div3A : vector<1x20xf32>
    %mul3A = arith.mulf %div3A_27, %get3A_8 : vector<1x20xf32>
    %reduce_sum3A_28 = arith.constant dense<0.000000e+00> : vector<1xf32>
    %reduce_sum3A_29 = vector.multi_reduction <add>, %mul3A, %reduce_sum3A_28 [1] : vector<1x20xf32> to vector<1xf32>
    %broadcast_in_dim3A_30 = vector.shape_cast %reduce_sum3A_29 : vector<1xf32> to vector<1x1xf32>
    %add3A_31 = arith.constant 9.99999996E-13 : f32
    %add3A_32 = vector.broadcast %add3A_31 : f32 to vector<1x1xf32>
    %add3A_33 = arith.addf %broadcast_in_dim3A_30, %add3A_32 : vector<1x1xf32>
    %div3A_34 = vector.broadcast %add3A_33 : vector<1x1xf32> to vector<1x20xf32>
    %div3A_35 = arith.divf %mul3A, %div3A_34 : vector<1x20xf32>
    %convert_element_type3A_36 = arith.truncf %div3A_35 : vector<1x20xf32> to vector<1x20xbf16>
    %dot_general3A_37 = arith.constant dense<0.000000e+00> : vector<1x1024xf32>
    %dot_general3A_38 = tpu.matmul %convert_element_type3A_36, %convert_element_type3A_17, %dot_general3A_37 {dimension_numbers = #tpu.dot_dimension_numbers<[1], [0], [0], [1], [0, 0, 1, 1], [], []>, transpose_lhs_hint = false} : vector<1x20xbf16>, vector<20x1024xbf16>, vector<1x1024xf32> -> vector<1x1024xf32>
    %convert_element_type3A_39 = arith.truncf %dot_general3A_38 : vector<1x1024xf32> to vector<1x1024xbf16>
    %swap3A = arith.constant 0 : index
    %swap3A_40 = arith.constant 0 : index
    %swap3A_41 = arith.constant 0 : index
    %swap3A_42 = vector.load %arg6[%swap3A, %swap3A_40, %swap3A_41] : memref<1x1x1024xbf16, #tpu.memory_space<vmem>>, vector<1x1x1024xbf16>
    %swap3A_43 = vector.shape_cast %swap3A_42 : vector<1x1x1024xbf16> to vector<1x1024xbf16>
    %swap3A_44 = vector.shape_cast %convert_element_type3A_39 : vector<1x1024xbf16> to vector<1x1x1024xbf16>
    tpu.vector_store %arg6[%swap3A, %swap3A_40, %swap3A_41], %swap3A_44 {strides = array<i32>} : memref<1x1x1024xbf16, #tpu.memory_space<vmem>>, vector<1x1x1024xbf16>,
    return
  }
  func.func @transform_0(%arg0: i32) -> (i32, i32, i32) {
    %c0_i32 = arith.constant 0 : i32
    %c0_i32_0 = arith.constant 0 : i32
    %c0_i32_1 = arith.constant 0 : i32
    return %arg0, %c0_i32, %c0_i32_0 : i32, i32, i32
  }
  func.func @transform_1(%arg0: i32) -> (i32, i32, i32) {
    %c0_i32 = arith.constant 0 : i32
    %c0_i32_0 = arith.constant 0 : i32
    %c0_i32_1 = arith.constant 0 : i32
    return %arg0, %c0_i32, %c0_i32_0 : i32, i32, i32
  }
  func.func @transform_2(%arg0: i32) -> (i32, i32) {
    %c0_i32 = arith.constant 0 : i32
    %c0_i32_0 = arith.constant 0 : i32
    %c0_i32_1 = arith.constant 0 : i32
    return %c0_i32, %c0_i32_0 : i32, i32
  }
  func.func @transform_3(%arg0: i32) -> (i32, i32) {
    %c0_i32 = arith.constant 0 : i32
    %c0_i32_0 = arith.constant 0 : i32
    %c0_i32_1 = arith.constant 0 : i32
    return %c0_i32, %c0_i32_0 : i32, i32
  }
  func.func @transform_4(%arg0: i32) -> (i32, i32) {
    %c0_i32 = arith.constant 0 : i32
    %c0_i32_0 = arith.constant 0 : i32
    %c0_i32_1 = arith.constant 0 : i32
    return %c0_i32, %c0_i32_0 : i32, i32
  }
  func.func @transform_5(%arg0: i32) -> (i32, i32, i32) {
    %c0_i32 = arith.constant 0 : i32
    %c0_i32_0 = arith.constant 0 : i32
    %c0_i32_1 = arith.constant 0 : i32
    return %arg0, %c0_i32, %c0_i32_0 : i32, i32, i32
  }
}

module attributes {stable_mosaic.version = 14 : i64} {
  func.func @_score_kernel(%arg0: i32, %arg1: memref<1x1000x1024xf32, #tpu.memory_space<vmem>>, %arg2: memref<1x1x1000xf32, #tpu.memory_space<vmem>>, %arg3: memref<1x1x1024xbf16, #tpu.memory_space<vmem>>, %arg4: memref<1024x1024xbf16, #tpu.memory_space<vmem>>, %arg5: memref<1x1024xf32, #tpu.memory_space<vmem>>, %arg6: memref<1x1x1000xf32, #tpu.memory_space<vmem>>) attributes {dimension_semantics = [#tpu.dimension_semantics<arbitrary>], iteration_bounds = array<i64: 32>, scalar_prefetch = 0 : i64, scratch_operands = 0 : i64, tpu.core_type = #tpu.core_type<tc>, window_params = [{transform_indices = @transform_0, window_bounds = array<i64: 1, 1000, 1024>}, {transform_indices = @transform_1, window_bounds = array<i64: 1, 1, 1000>}, {transform_indices = @transform_2, window_bounds = array<i64: 1, 1, 1024>}, {pipeline_mode = #tpu.pipeline_mode<synchronous>, transform_indices = @transform_3, window_bounds = array<i64: 1024, 1024>}, {pipeline_mode = #tpu.pipeline_mode<synchronous>, transform_indices = @transform_4, window_bounds = array<i64: 1, 1024>}, {transform_indices = @transform_5, window_bounds = array<i64: 1, 1, 1000>}]} {
    %get3A = arith.constant 0 : index
    %get3A_0 = arith.constant 0 : index
    %get3A_1 = arith.constant 0 : index
    %get3A_2 = vector.load %arg1[%get3A, %get3A_0, %get3A_1] : memref<1x1000x1024xf32, #tpu.memory_space<vmem>>, vector<1x1000x1024xf32>
    %get3A_3 = vector.shape_cast %get3A_2 : vector<1x1000x1024xf32> to vector<1000x1024xf32>
    %convert_element_type3A = arith.truncf %get3A_3 : vector<1000x1024xf32> to vector<1000x1024xbf16>
    %get3A_4 = arith.constant 0 : index
    %get3A_5 = arith.constant 0 : index
    %get3A_6 = vector.load %arg4[%get3A_4, %get3A_5] : memref<1024x1024xbf16, #tpu.memory_space<vmem>>, vector<1024x1024xbf16>
    %dot_general3A = arith.constant dense<0.000000e+00> : vector<1000x1024xf32>
    %dot_general3A_7 = tpu.matmul %convert_element_type3A, %get3A_6, %dot_general3A {dimension_numbers = #tpu.dot_dimension_numbers<[1], [1], [0], [0], [0, 0, 1, 0], [], []>, transpose_lhs_hint = false} : vector<1000x1024xbf16>, vector<1024x1024xbf16>, vector<1000x1024xf32> -> vector<1000x1024xf32>
    %get3A_8 = arith.constant 0 : index
    %get3A_9 = arith.constant 0 : index
    %get3A_10 = vector.load %arg5[%get3A_8, %get3A_9] : memref<1x1024xf32, #tpu.memory_space<vmem>>, vector<1x1024xf32>
    %add3A = vector.broadcast %get3A_10 : vector<1x1024xf32> to vector<1000x1024xf32>
    %add3A_11 = arith.addf %dot_general3A_7, %add3A : vector<1000x1024xf32>
    %convert_element_type3A_12 = arith.truncf %add3A_11 : vector<1000x1024xf32> to vector<1000x1024xbf16>
    %get3A_13 = arith.constant 0 : index
    %get3A_14 = arith.constant 0 : index
    %get3A_15 = arith.constant 0 : index
    %get3A_16 = vector.load %arg3[%get3A_13, %get3A_14, %get3A_15] : memref<1x1x1024xbf16, #tpu.memory_space<vmem>>, vector<1x1x1024xbf16>
    %get3A_17 = vector.shape_cast %get3A_16 : vector<1x1x1024xbf16> to vector<1x1024xbf16>
    %dot_general3A_18 = arith.constant dense<0.000000e+00> : vector<1x1000xf32>
    %dot_general3A_19 = tpu.matmul %get3A_17, %convert_element_type3A_12, %dot_general3A_18 {dimension_numbers = #tpu.dot_dimension_numbers<[1], [1], [0], [0], [0, 0, 1, 0], [], []>, transpose_lhs_hint = false} : vector<1x1024xbf16>, vector<1000x1024xbf16>, vector<1x1000xf32> -> vector<1x1000xf32>
    %mul3A = arith.constant 3.125000e-02 : f32
    %mul3A_20 = vector.broadcast %mul3A : f32 to vector<1x1000xf32>
    %mul3A_21 = arith.mulf %dot_general3A_19, %mul3A_20 : vector<1x1000xf32>
    %get3A_22 = arith.constant 0 : index
    %get3A_23 = arith.constant 0 : index
    %get3A_24 = arith.constant 0 : index
    %get3A_25 = vector.load %arg2[%get3A_22, %get3A_23, %get3A_24] : memref<1x1x1000xf32, #tpu.memory_space<vmem>>, vector<1x1x1000xf32>
    %get3A_26 = vector.shape_cast %get3A_25 : vector<1x1x1000xf32> to vector<1x1000xf32>
    %gt3A = arith.constant 0.000000e+00 : f32
    %gt3A_27 = vector.broadcast %gt3A : f32 to vector<1x1000xf32>
    %gt3A_28 = arith.cmpf ogt, %get3A_26, %gt3A_27 : vector<1x1000xf32>
    %jit3A = arith.constant -1.000000e+04 : f32
    %broadcast_in_dim3A = vector.broadcast %jit3A : f32 to vector<1x1000xf32>
    %select_n3A = arith.select %gt3A_28, %mul3A_21, %broadcast_in_dim3A : vector<1x1000xi1>, vector<1x1000xf32>
    %swap3A = arith.constant 0 : index
    %swap3A_29 = arith.constant 0 : index
    %swap3A_30 = arith.constant 0 : index
    %swap3A_31 = vector.load %arg6[%swap3A, %swap3A_29, %swap3A_30] : memref<1x1x1000xf32, #tpu.memory_space<vmem>>, vector<1x1x1000xf32>
    %swap3A_32 = vector.shape_cast %swap3A_31 : vector<1x1x1000xf32> to vector<1x1000xf32>
    %swap3A_33 = vector.shape_cast %select_n3A : vector<1x1000xf32> to vector<1x1x1000xf32>
    tpu.vector_store %arg6[%swap3A, %swap3A_29, %swap3A_30], %swap3A_33 {strides = array<i32>} : memref<1x1x1000xf32, #tpu.memory_space<vmem>>, vector<1x1x1000xf32>,
    return
  }
  func.func @transform_0(%arg0: i32) -> (i32, i32, i32) {
    %c0_i32 = arith.constant 0 : i32
    %c0_i32_0 = arith.constant 0 : i32
    %c0_i32_1 = arith.constant 0 : i32
    return %arg0, %c0_i32, %c0_i32_0 : i32, i32, i32
  }
  func.func @transform_1(%arg0: i32) -> (i32, i32, i32) {
    %c0_i32 = arith.constant 0 : i32
    %c0_i32_0 = arith.constant 0 : i32
    %c0_i32_1 = arith.constant 0 : i32
    return %arg0, %c0_i32, %c0_i32_0 : i32, i32, i32
  }
  func.func @transform_2(%arg0: i32) -> (i32, i32, i32) {
    %c0_i32 = arith.constant 0 : i32
    %c0_i32_0 = arith.constant 0 : i32
    %c0_i32_1 = arith.constant 0 : i32
    return %arg0, %c0_i32, %c0_i32_0 : i32, i32, i32
  }
  func.func @transform_3(%arg0: i32) -> (i32, i32) {
    %c0_i32 = arith.constant 0 : i32
    %c0_i32_0 = arith.constant 0 : i32
    %c0_i32_1 = arith.constant 0 : i32
    return %c0_i32, %c0_i32_0 : i32, i32
  }
  func.func @transform_4(%arg0: i32) -> (i32, i32) {
    %c0_i32 = arith.constant 0 : i32
    %c0_i32_0 = arith.constant 0 : i32
    %c0_i32_1 = arith.constant 0 : i32
    return %c0_i32, %c0_i32_0 : i32, i32
  }
  func.func @transform_5(%arg0: i32) -> (i32, i32, i32) {
    %c0_i32 = arith.constant 0 : i32
    %c0_i32_0 = arith.constant 0 : i32
    %c0_i32_1 = arith.constant 0 : i32
    return %arg0, %c0_i32, %c0_i32_0 : i32, i32, i32
  }
}

</mosaic_0001>

<sc_bundles>
// kernel: kernel.5.cloned.1.call-start
scs
__scs_entry_jumppad:
0x0: {  	(pc) =	sbr.rel $0x88, $3  }
0x1: {  	(tag) =	ssettag $0x0;
	lr =	simm.s32 $0x1  }
0x2: {  	[smem:$0x3F97] =	sst lr;
	_ =	strace $0xD0000000  }
0x3: {  	_ = 	snop  }
0x4: {  	_ = 	snop  }
0x5: {  	_ = 	snop  }
0x6: {  	_ = 	snop  }
0x7: {  	_ = 	snop  }
__scs_overlays_trampoline_lowered:
0x8: {  	[smem:$0x3FA6] =	sst s0  }
0x9: {  	[smem:$0x3FA7] =	sst s1  }
0xa: {  	[smem:$0x3FA8] =	sst s2  }
0xb: {  	[smem:$0x3FA9] =	sst s3  }
0xc: {  	[smem:$0x3FAA] =	sst s4  }
0xd: {  	[smem:$0x3FAB] =	sst s5  }
0xe: {  	[smem:$0x3FAC] =	sst s6  }
0xf: {  	[smem:$0x3FAD] =	sst s7  }
0x10: {  	[smem:$0x3FAE] =	sst s8  }
0x11: {  	[smem:$0x3FAF] =	sst s9;
	s0 =	simm.s32 @!p0 $0x0  }
0x12: {  	s1 =	sld [smem:$0x3F95];
	s0 =	simm.s32 @p0 $0x1  }
0x13: {  	[smem:$0x3FB0] =	sst s0;
	s0 =	simm.s32 @!p1 $0x0  }
0x14: {  	s2 =	sld [smem:$0x3F94];
	s0 =	simm.s32 @p1 $0x1  }
0x15: {  	[smem:$0x3FB1] =	sst s0;
	s0 =	simm.s32 @!p2 $0x0  }
0x16: {  	s3 =	sld [smem:$0x3FDB];
	s0 =	simm.s32 @p2 $0x1  }
0x17: {  	s4 =	simm.s32 $0x1BF5;
	[smem:$0x3FB3] =	sst s0  }
0x18: {  	s0 =	sld [smem:$0x3F96];
	_ =	swait.ge [sflag:s4], $0x0  }
0x19: {  	s7 =	sld [smem:$0x3F97]  }
0x1a: {  	s8 =	sadd.s32 $0xFFFFE003, lr  }
0x1b: {  	s9 =	sadd.s32 $0xFFFFFEF7, lr;
	s5 =	simm.s32 $0xFFFFFFFF;
	p2 =	slt.u32 s8, $0xFFFFF086  }
0x1c: {  	p1 =	slt.u32 s9, $0xF7A;
	s5 =	simm.s32 @!p2 $0x0  }
0x1d: {  	s5 =	simm.s32 @p1 $0x1;
	p0 =	seq.s32 s7, s2  }
0x1e: {  	s7 =	smul.u32 @!p0 $0xF7A, s2;
	p2 =	seq.s32 @!p0 s5, $0x0  }
0x1f: {  	s9 =	smul.u32 $0xF7A, s1;
	s8 =	simm.s32 @!p0 $0x1BF5;
	p2 =	por !p2, p0  }
0x20: {  	[sflag:s8] =	ssyncset.s32 @!p0 $0xFFFFF086;
	s6 =	sadd.s32 @!p0 s3, s7;
	s7 =	simm.s32 @!p0 $0x108  }
0x21: {  	s3 =	sadd.s32 s3, s9;
	s6 =	sadd.s32 @!p0 $0x88, s6;
	s7 =	simm.s32 @p2 $0x1082  }
0x22: {  	[simem:s7], [sflag:s8] =	dma.local @!p0 [hbm:s6], $0xF7A  }
0x23: {  	s9 =	sor.u32 $0xD0000000, s2;
	s6 =	simm.s32 $0x108;
	_ =	swait.ge @!p0 [sflag:s8], $0x0  }
0x24: {  	s3 =	sadd.s32 $0x88, s3;
	s6 =	simm.s32 @!p1 $0x1082;
	[sflag:s4] =	ssyncset.s32 $0xFFFFF086  }
0x25: {  	[simem:s6], [sflag:s4] =	dma.local [hbm:s3], $0xF7A  }
0x26: {  	[smem:$0x3F97] =	sst s1;
	(tag) =	ssettag s2;
	_ =	strace s9  }
0x27: {  	s1 =	sld [smem:$0x3FA7]  }
0x28: {  	s2 =	sld [smem:$0x3FA8]  }
0x29: {  	s4 =	sld [smem:$0x3FAA]  }
0x2a: {  	p0 =	seq.s32 s5, $0x0;
	s5 =	sld [smem:$0x3FAB]  }
0x2b: {  	s6 =	sld [smem:$0x3FAC]  }
0x2c: {  	s7 =	sld [smem:$0x3FAD]  }
0x2d: {  	s3 =	simm.s32 $0x108;
	s8 =	sld [smem:$0x3FAE]  }
0x2e: {  	s3 =	simm.s32 @!p0 $0x1082;
	s9 =	sld [smem:$0x3FAF]  }
0x2f: {  	lr =	sadd.s32 s0, s3;
	s0 =	sld [smem:$0x3FA6]  }
0x30: {  	s3 =	sld [smem:$0x3FA9]  }
0x31: {  	[smem:$0x3FB2] =	sst s10  }
0x32: {  	s10 =	sld [smem:$0x3FB0];
	_ =	sdelay $0x3  }
0x33: {  	p0 =	seq.s32 s10, $0x1;
	s10 =	sld [smem:$0x3FB2];
	_ =	sdelay $0x3  }
0x34: {  	[smem:$0x3FB2] =	sst s10  }
0x35: {  	s10 =	sld [smem:$0x3FB1];
	_ =	sdelay $0x3  }
0x36: {  	p1 =	seq.s32 s10, $0x1;
	s10 =	sld [smem:$0x3FB2];
	_ =	sdelay $0x3  }
0x37: {  	[smem:$0x3FB2] =	sst s10  }
0x38: {  	s10 =	sld [smem:$0x3FB3]  }
0x39: {  	_ = 	snop;
	(pc) =	sbr.ind lr, $3  }
0x3a: {  	_ = 	snop  }
0x3b: {  	_ = 	snop  }
0x3c: {  	p2 =	seq.s32 s10, $0x1;
	s10 =	sld [smem:$0x3FB2]  }
0x3d: {  	_ =	shalt  }
0x3e: {  	_ =	shalt  }
0x3f: {  	_ =	shalt  }
0x40: {  	_ =	shalt  }
0x41: {  	_ =	shalt  }
0x42: {  	_ =	shalt  }
0x43: {  	_ =	shalt  }
0x44: {  	_ =	shalt  }
0x45: {  	_ =	shalt  }
0x46: {  	_ =	shalt  }
0x47: {  	_ =	shalt  }
0x48: {  	_ =	shalt  }
0x49: {  	_ =	shalt  }
0x4a: {  	_ =	shalt  }
0x4b: {  	_ =	shalt  }
0x4c: {  	_ =	shalt  }
0x4d: {  	_ =	shalt  }
0x4e: {  	_ =	shalt  }
0x4f: {  	_ =	shalt  }
0x50: {  	_ =	shalt  }
0x51: {  	_ =	shalt  }
0x52: {  	_ =	shalt  }
0x53: {  	_ =	shalt  }
0x54: {  	_ =	shalt  }
0x55: {  	_ =	shalt  }
0x56: {  	_ =	shalt  }
0x57: {  	_ =	shalt  }
0x58: {  	_ =	shalt  }
0x59: {  	_ =	shalt  }
0x5a: {  	_ =	shalt  }
0x5b: {  	_ =	shalt  }
0x5c: {  	_ =	shalt  }
0x5d: {  	_ =	shalt  }
0x5e: {  	_ =	shalt  }
0x5f: {  	_ =	shalt  }
0x60: {  	_ =	shalt  }
0x61: {  	_ =	shalt  }
0x62: {  	_ =	shalt  }
0x63: {  	_ =	shalt  }
0x64: {  	_ =	shalt  }
0x65: {  	_ =	shalt  }
0x66: {  	_ =	shalt  }
0x67: {  	_ =	shalt  }
0x68: {  	_ =	shalt  }
0x69: {  	_ =	shalt  }
0x6a: {  	_ =	shalt  }
0x6b: {  	_ =	shalt  }
0x6c: {  	_ =	shalt  }
0x6d: {  	_ =	shalt  }
0x6e: {  	_ =	shalt  }
0x6f: {  	_ =	shalt  }
0x70: {  	_ =	shalt  }
0x71: {  	_ =	shalt  }
0x72: {  	_ =	shalt  }
0x73: {  	_ =	shalt  }
0x74: {  	_ =	shalt  }
0x75: {  	_ =	shalt  }
0x76: {  	_ =	shalt  }
0x77: {  	_ =	shalt  }
0x78: {  	_ =	shalt  }
0x79: {  	_ =	shalt  }
0x7a: {  	_ =	shalt  }
0x7b: {  	_ =	shalt  }
0x7c: {  	_ =	shalt  }
0x7d: {  	_ =	shalt  }
0x7e: {  	_ =	shalt  }
0x7f: {  	_ =	shalt  }
0x80: {  	_ =	shalt  }
0x81: {  	_ =	shalt  }
0x82: {  	_ =	shalt  }
0x83: {  	_ =	shalt  }
0x84: {  	_ =	shalt  }
0x85: {  	_ =	shalt  }
0x86: {  	_ =	shalt  }
0x87: {  	_ =	shalt  }
.Lfunc_end0:
.L_simem_size_0:
called_computation_lowered:
.L_overlay_start_0:
0x88: {  	s2 =	sld [smem:$0x3FD9]  }
0x89: {  	s3 =	sld [smem:$0x3FFE];
	_ =	sdelay $0x1  }
0x8a: {  	s1 =	srdreg.scid  }
0x8b: {  	s0 =	sand.u32 $0x1, s1  }
0x8c: {  	s14 =	sshll.u32 s0, $0xA;
	s2 =	sadd.s32 s3, s2  }
0x8d: {  	s2 =	sadd.s32 s2, s14  }
0x8e: {  	[smem:$0x3FBE] =	sst s2  }
0x8f: {  	_ = 	snop  }
0x90: {  	s2 =	sld [smem:$0x3FD0];
	_ =	sdelay $0x2  }
0x91: {  	s15 =	simm.s32 $0xA;
	s4 =	simm.s32 $0x10  }
0x92: {  	[smem:s4], [sflag:s15] =	dma.local [hbm:s2], $0x1  }
0x93: {  	_ =	swait.eq [sflag:s15], $0x1  }
0x94: {  	[sflag:s15] =	ssyncset.done $0x0  }
0x95: {  	[sflag:s15] =	ssyncadd.s32 $0xFFFFFFFF  }
0x96: {  	s16 =	sld [smem:$0x10];
	(tm) =	ssettm $0x1  }
0x97: {  	s17 =	sld [smem:$0x3FFB];
	_ =	sdelay $0x3  }
0x98: {  	_ =	strace s17  }
0x99: {  	s3 =	sld [smem:$0x3FFC];
	_ =	sdelay $0x3  }
0x9a: {  	_ =	strace s3  }
0x9b: {  	s3 =	sld [smem:$0x3FFD];
	_ =	sdelay $0x3  }
0x9c: {  	_ =	strace s3  }
0x9d: {  	_ =	strace $0x8FFFFFFF  }
0x9e: {  	s18 =	sld [smem:$0x3FDB];
	_ =	sdelay $0x1  }
0x9f: {  	s19 =	simm.s32 $_scs_section_size  }
0xa0: {  	s5 =	simm.s32 $_size__tile_overlayer_lowered;
	s6 =	simm.s32 $_tile_overlayer_lowered  }
0xa1: {  	s22 =	simm.s32 $0x1BFF;
	s21 =	sshll.u32 s6, $0x1;
	s3 =	sadd.s32 s19, s18  }
0xa2: {  	s7 =	simm.s32 $0x0;
	s20 =	sshll.u32 s5, $0x1;
	s5 =	sadd.s32 s21, s3  }
0xa3: {  	[timem:s7], [sflag:s22] =	dma.local [hbm:s5], s20  }
0xa4: {  	_ =	swait.ge [sflag:s22], s20  }
0xa5: {  	s4 =	ssub.s32 $0x0, s20;
	[sflag:s22] =	ssyncset.done $0x0  }
0xa6: {  	[sflag:s22] =	ssyncadd.s32 s4;
	_ =	sdelay $0x1  }
0xa7: {  	s23 =	simm.s32 $0x1B8B  }
0xa8: {  	_ =	swait.ge [sflag:s23], $0x1  }
0xa9: {  	[sflag:s23] =	ssyncset.done $0x0  }
0xaa: {  	s25 =	simm.s32 $0x1B8E;
	s24 =	sld [smem:$0x3FFE];
	[sflag:s23] =	ssyncadd.s32 $0xFFFFFFFF  }
0xab: {  	s26 =	simm.s32 $execute0_lowered;
	[smem:$0x3FD2] =	sst s25  }
0xac: {  	s5 =	sshll.u32 s26, $0x1;
	_ =	strace $0x80000046;
	[dreg:$0x1] =	wrdreg $0xFFFFFFFF  }
0xad: {  	s28 =	simm.s32 $_size_execute0_lowered;
	s3 =	sadd.s32 s3, s5;
	[dreg:$0x0] =	wrdreg $0x0  }
0xae: {  	s5 =	sshll.u32 s28, $0x1;
	[dreg:$0x2] =	wrdreg s3  }
0xaf: {  	[dreg:$0x3] =	wrdreg s5  }
0xb0: {  	[dreg:$0x4] =	wrdreg $0xC0  }
0xb1: {  	_ =	task [dreg:s7], $0x5FFFF  }
0xb2: {  	[dreg:$0x1] =	wrdreg $0xFFFFFFFF  }
0xb3: {  	[dreg:$0x0] =	wrdreg $0x60  }
0xb4: {  	[dreg:$0x2] =	wrdreg s24  }
0xb5: {  	[dreg:$0x3] =	wrdreg s16  }
0xb6: {  	[dreg:$0x4] =	wrdreg $0x9  }
0xb7: {  	_ =	task.clear_ibuf [dreg:s7], $0x5FFFF;
	_ =	strace $0x90000046  }
0xb8: {  	s29 =	simm.s32 $0x9;
	_ =	strace $0x80000048  }
0xb9: {  	_ =	swait.ge [sflag:s29], $0x1  }
0xba: {  	[sflag:s29] =	ssyncadd.s32 $0xFFFFFFFF  }
0xbb: {  	_ =	strace $0x90000048  }
0xbc: {  	_ =	sfence  }
0xbd: {  	s30 =	sld [smem:$0x0];
	_ =	sdelay $0x2  }
0xbe: {  	s31 =	sshll.u32 s1, $0xD;
	s1 =	sshrl.u32 s1, $0x2  }
0xbf: {  	s3 =	sand.u32 $0x4000, s31;
	s1 =	sadd.s32 s1, s30  }
0xc0: {  	s0 =	sor.u32 s3, s0;
	s1 =	sshll.u32 s1, $0x11  }
0xc1: {  	s0 =	sor.u32 s1, s0  }
0xc2: {  	s0 =	sadd.s32 $0x8F2B, s0  }
0xc3: {  	[sflag:s0] =	ssyncadd.remote.s32 $0x1  }
0xc4: {  	_ =	sfence.sel $0xFFFF  }
0xc5: {  	[dreg:$0x0] =	wrdreg $0xFFFFFFFF;
	(pc) =	sbr.abs _section_cstart, $3  }
0xc6: {  	[dreg:$0x1] =	wrdreg $0xFFFFFFFF  }
0xc7: {  	_ =	task.clear_ibuf [dreg:s7], $0x2FFFF;
	_ =	strace $0x9FFFFFFF  }
0xc8: {  	(tm) =	ssettm $0x7FFFFFFF  }
0xc9: {  	_ =	shalt  }
tec
execute0_lowered:
.L_overlay_start_1:
0x0: {  	(tag) =	ssettag $0x1  }
0x1: {  	s1 =	srdreg.scid  }
0x2: {  	s0 =	stileid.u32;
	s3 =	rddreg [dreg:$0x0]  }
0x3: {  	s6 =	rddreg [dreg:$0x1];
	s4 =	sand.u32 $0x1, s1;
	s30 =	sshll.u32 s0, $0x1  }
0x4: {  	s2 =	simm.s32 $0x0;
	s11 =	simm.s32 $0x1800;
	s5 =	sor.u32 s4, s30  }
0x5: {  	s12 =	simm.s32 $0x1880;
	s13 =	simm.s32 $0x0;
	s7 =	smul.u32 $0x7D, s5  }
0x6: {  	s1 =	rddreg [dreg:$0x2];
	s4 =	ssub.s32 $0x2, s4;
	s8 =	smul.u32 $0x1F4, s5  }
0x7: {  	vm0 =	vmmov $0xff;
	v0 =	vlaneseq.u32;
	v1 =	vimm.f32 $-Inf;
	[smem:$0x7FF] =	sst s2;
	s31 =	sshrl.u32 s4, $0x1;
	s9 =	smul.u32 $0x14, s5  }
0x8: {  	v2 =	vimm.s32 $0x0;
	v3 =	vshrl.u32 v0, $0x2;
	v4 =	vand.u32 $0x3, v0;
	_ =	strace $0x80000047;
	s10 =	ssub.s32 s4, s31;
	s7 =	sadd.s32 s7, s3  }
0x9: {  	v5 =	vor.u32 $0x4, v3;
	v6 =	vor.u32 $0x8, v3;
	v7 =	vor.u32 $0xC, v3;
	s8 =	sadd.s32 s8, s3;
	s6 =	sadd.s32 s6, s9;
	s9 =	simm.s32 $0x400  }
0xa: {  	v8 =	vor.u32 $0x10, v3;
	v9 =	vor.u32 $0x14, v3;
	v10 =	vor.u32 $0x18, v3;
	s3 =	sadd.s32 $0x1E00, s7;
	s4 =	sadd.s32 $0xE00, s7;
	s5 =	sadd.s32 $0x2E00, s8  }
0xb: {  	v11 =	vor.u32 $0x1C, v3;
	v12 =	vor.u32 $0x20, v3;
	v13 =	vor.u32 $0x24, v3;
	s7 =	smax.u32 s10, $0x1;
	s8 =	simm.s32 $0x1;
	s10 =	simm.s32 $0x800  }
.LBB2_1:
0xc: {  	[tilespmem:s2], [sflag:$0x1] =	stream.linear.gather [hbm4b:s3+s2], $0x3E8, $0x38;
	[tilespmem:$0x1980] =	vst v63  }
0xd: {  	_ =	swait.ge [sflag:s8], $0x3E8  }
0xe: {  	[sflag:s8] =	ssyncset.done $0x0  }
0xf: {  	[sflag:s8] =	ssyncadd.s32 $0xFFFFFC18  }
0x10: {  	[tilespmem:s9], [sflag:$0x1] =	stream.linear.gather [hbm4b:s4+s2], $0x3E8, $0x38;
	[tilespmem:$0x1980] =	vst v63  }
0x11: {  	_ =	swait.ge [sflag:s8], $0x3E8  }
0x12: {  	[sflag:s8] =	ssyncset.done $0x0  }
0x13: {  	[sflag:s8] =	ssyncadd.s32 $0xFFFFFC18  }
0x14: {  	[tilespmem:s10], [sflag:$0x1] =	stream.linear.gather [hbm4b:s5+s2], $0xFA0, $0x38;
	[tilespmem:$0x1980] =	vst v63  }
0x15: {  	_ =	swait.ge [sflag:s8], $0xFA0  }
0x16: {  	[sflag:s8] =	ssyncset.done $0x0  }
0x17: {  	[sflag:s8] =	ssyncadd.s32 $0xFFFFF060  }
0x18: {  	v14 =	vld [tilespmem:$0x3E0];
	_ =	sdelay $0x4  }
0x19: {  	v14 =	vnsel vm0, $0xFF800000, v14  }
0x1a: {  	s14 =	simm.s32 $0x0;
	[tilespmem:$0x3E0] =	vst v14  }
.LBB2_2:
0x1b: {  	s15 =	simm.s32 $0x0  }
0x1c: {  	v14 =	vor.u32 s15, v0;
	_ =	sdelay $0x3  }
0x1d: {  	s31 =	simm.s32 $0x10  }
0x1e: {  	v15 =	vor.u32 s31, v0;
	v19 =	vld.idx.msk [tilespmem:v14+s2+$0x0], $0xffff;
	_ =	sdelay $0x3  }
0x1f: {  	v17 =	vimm.f32 $-Inf  }
0x20: {  	v16 =	vimm.s32 $0x0;
	s15 =	simm.s32 $0x20;
	v18 =	vld.idx.msk [tilespmem:v15+s2+$0x0], $0xffff;
	vm1 =	vgt.f32 v19, v17  }
.LBB2_3:
0x21: {  	p0 =	sne.s32 s15, $0x3E0;
	v17 =	vsel vm1, v19, v17;
	v16 =	vsel vm1, v14, v16;
	v14 =	vmovc v15;
	v15 =	vor.u32 s15, v0;
	s15 =	sadd.s32 $0x10, s15  }
.Ltmp0:
0x22: {  	(pc) =	sbr.rel @p0 .LBB2_3-.Ltmp0, $2  }
0x23: {  	_ =	sdelay $0x2  }
0x24: {  	vm1 =	vgt.f32 v18, v17;
	v19 =	vmov v18;
	v18 =	vld.idx.msk [tilespmem:v15+s2+$0x0], $0xffff  }
0x25: {  	_ =	sdelay $0x2  }
0x26: {  	v17 =	vsel vm1, v19, v17  }
0x27: {  	vm2 =	vgt.f32 v18, v17  }
0x28: {  	v17 =	vsel vm2, v18, v17  }
0x29: {  	(xrf0) =	vmax.scan.msk.f32 $0xffff, v17;
	_ =	sdelay $0x5  }
0x2a: {  	v62, _, _ =	vpop (xrf0)  }
0x2b: {  	v14 =	vsel vm1, v14, v16;
	v63 =	vbroadcast v62, $0xF  }
0x2c: {  	v14 =	vsel vm2, v15, v14  }
0x2d: {  	v14 =	vxor.u32 $0x80000000, v14;
	vm1 =	veq.f32 v17, v63  }
0x2e: {  	v14 =	vnsel vm1, $0xC0000000, v14  }
0x2f: {  	(xrf0) =	vmin.scan.msk.u32 $0xffff, v14;
	_ =	sdelay $0x5  }
0x30: {  	v14, _, _ =	vpop (xrf0)  }
0x31: {  	(v2sf) =	vpush v14, $0xF;
	_ =	sdelay $0xe  }
0x32: {  	s15 =	spop (v2sf)  }
0x33: {  	s14 =	sadd.s32 $0x1, s14;
	s15 =	sxor.u32 $0x80000000, s15  }
0x34: {  	p0 =	sne.s32 s14, $0x28;
	v14 =	vmov s15  }
.Ltmp1:
0x35: {  	_ = 	snop;
	(pc) =	sbr.rel @p0 .LBB2_2-.Ltmp1, $2  }
0x36: {  	_ =	sdelay $0x2  }
0x37: {  	[tilespmem:v14+s2+$0x0] =	vst.idx.msk $0x1, v1  }
0x38: {  	s14 =	simm.s32 $0x0  }
0x39: {  	v14 =	vor.u32 s14, v0  }
0x3a: {  	v15 =	vimm.s32 $0x0  }
0x3b: {  	[tilespmem:$0x1800] =	vst v15  }
0x3c: {  	[tilespmem:$0x1810] =	vst v15  }
0x3d: {  	[tilespmem:$0x1820] =	vst v15  }
0x3e: {  	v16 =	vld.idx.msk [tilespmem:v14+s2+$0x0], $0xffff;
	_ =	sdelay $0x4  }
0x3f: {  	vm2 =	vlt.u32 v14, $0x3E8;
	vm1 =	veq.f32 v16, $-Inf  }
0x40: {  	vm1 =	vmand vm2, vm1  }
0x41: {  	v16 =	vsel vm1, $0x1, v2  }
0x42: {  	(xrf0) =	vadd.scan.msk.s32 $0xffff, v16;
	_ =	sdelay $0x4  }
0x43: {  	v16 =	vmpcnt.ones.xlane vm1  }
0x44: {  	v17, _, _ =	vpop (xrf0)  }
0x45: {  	v16 =	vadd.s32 v15, v16;
	v15 =	vadd.s32 v17, v15;
	_ =	sdelay $0x1  }
0x46: {  	s31 =	simm.s32 $0x10;
	v18 =	vadd.s32 $0xFFFFFFFF, v15  }
0x47: {  	s14 =	simm.s32 $0x20;
	v17 =	vor.u32 s31, v0;
	v15 =	vmov v16  }
.LBB2_6:
0x48: {  	p0 =	sne.s32 s14, $0x3E0;
	_ =	sdelay $0x2  }
0x49: {  	[tilespmem:v18+s11+$0x0] =	vst.idx.msk vm1, v14;
	v14 =	vmov v17  }
0x4a: {  	v17 =	vld.idx.msk [tilespmem:v17+s2+$0x0], $0xffff;
	_ =	sdelay $0x5  }
0x4b: {  	vm2 =	vlt.u32 v14, $0x3E8;
	vm1 =	veq.f32 v17, $-Inf  }
0x4c: {  	vm1 =	vmand vm2, vm1  }
0x4d: {  	v17 =	vsel vm1, $0x1, v2;
	v18 =	vmpcnt.ones.xlane vm1  }
0x4e: {  	(xrf0) =	vadd.scan.msk.s32 $0xffff, v17  }
0x4f: {  	v16 =	vadd.s32 v16, v18;
	_ =	sdelay $0x3  }
.Ltmp2:
0x50: {  	(pc) =	sbr.rel @p0 .LBB2_6-.Ltmp2, $4  }
0x51: {  	v17, _, _ =	vpop (xrf0)  }
0x52: {  	v17 =	vadd.s32 v17, v15;
	v15 =	vmov v16  }
0x53: {  	v18 =	vadd.s32 $0xFFFFFFFF, v17  }
0x54: {  	v17 =	vor.u32 s14, v0;
	s14 =	sadd.s32 $0x10, s14  }
0x55: {  	_ =	sdelay $0x4  }
0x56: {  	[tilespmem:v18+s11+$0x0] =	vst.idx.msk vm1, v14  }
0x57: {  	v14 =	vld.idx.msk [tilespmem:v17+s2+$0x0], $0xffff;
	_ =	sdelay $0x4  }
0x58: {  	vm2 =	vlt.u32 v17, $0x3E8;
	vm1 =	veq.f32 v14, $-Inf  }
0x59: {  	vm1 =	vmand vm2, vm1  }
0x5a: {  	v14 =	vsel vm1, $0x1, v2  }
0x5b: {  	(xrf0) =	vadd.scan.msk.s32 $0xffff, v14;
	_ =	sdelay $0x5  }
0x5c: {  	v14, _, _ =	vpop (xrf0)  }
0x5d: {  	v14 =	vadd.s32 v14, v15  }
0x5e: {  	v14 =	vadd.s32 $0xFFFFFFFF, v14;
	_ =	sdelay $0x4  }
0x5f: {  	[tilespmem:v14+s11+$0x0] =	vst.idx.msk vm1, v17  }
0x60: {  	v14 =	vld.idx.msk [tilespmem:v3+s11+$0x0], $0xffff;
	_ =	sdelay $0x4  }
0x61: {  	v15 =	vshll.u32 v14, $0x2  }
0x62: {  	v15 =	vor.u32 v4, v15;
	_ =	sdelay $0x3  }
0x63: {  	v14 =	vld.idx.msk [tilespmem:v14+s9+$0x0], $0xffff  }
0x64: {  	v15 =	vld.idx.msk [tilespmem:v15+s10+$0x0], $0xffff;
	_ =	sdelay $0x4  }
0x65: {  	v14 =	vmul.f32 v15, v14;
	_ =	sdelay $0x1  }
0x66: {  	[tilespmem:$0x1880] =	vst v14  }
0x67: {  	v14 =	vld.idx.msk [tilespmem:v5+s11+$0x0], $0xffff;
	_ =	sdelay $0x4  }
0x68: {  	v15 =	vshll.u32 v14, $0x2  }
0x69: {  	v15 =	vor.u32 v4, v15;
	_ =	sdelay $0x3  }
0x6a: {  	v14 =	vld.idx.msk [tilespmem:v14+s9+$0x0], $0xffff  }
0x6b: {  	v15 =	vld.idx.msk [tilespmem:v15+s10+$0x0], $0xffff;
	_ =	sdelay $0x4  }
0x6c: {  	v14 =	vmul.f32 v15, v14;
	_ =	sdelay $0x1  }
0x6d: {  	[tilespmem:$0x1890] =	vst v14  }
0x6e: {  	v14 =	vld.idx.msk [tilespmem:v6+s11+$0x0], $0xffff;
	_ =	sdelay $0x4  }
0x6f: {  	v15 =	vshll.u32 v14, $0x2  }
0x70: {  	v15 =	vor.u32 v4, v15;
	_ =	sdelay $0x3  }
0x71: {  	v14 =	vld.idx.msk [tilespmem:v14+s9+$0x0], $0xffff  }
0x72: {  	v15 =	vld.idx.msk [tilespmem:v15+s10+$0x0], $0xffff;
	_ =	sdelay $0x4  }
0x73: {  	v14 =	vmul.f32 v15, v14;
	_ =	sdelay $0x1  }
0x74: {  	[tilespmem:$0x18A0] =	vst v14  }
0x75: {  	v14 =	vld.idx.msk [tilespmem:v7+s11+$0x0], $0xffff;
	_ =	sdelay $0x4  }
0x76: {  	v15 =	vshll.u32 v14, $0x2  }
0x77: {  	v15 =	vor.u32 v4, v15;
	_ =	sdelay $0x3  }
0x78: {  	v14 =	vld.idx.msk [tilespmem:v14+s9+$0x0], $0xffff  }
0x79: {  	v15 =	vld.idx.msk [tilespmem:v15+s10+$0x0], $0xffff;
	_ =	sdelay $0x4  }
0x7a: {  	v14 =	vmul.f32 v15, v14;
	_ =	sdelay $0x1  }
0x7b: {  	[tilespmem:$0x18B0] =	vst v14  }
0x7c: {  	v14 =	vld.idx.msk [tilespmem:v8+s11+$0x0], $0xffff;
	_ =	sdelay $0x4  }
0x7d: {  	v15 =	vshll.u32 v14, $0x2  }
0x7e: {  	v15 =	vor.u32 v4, v15;
	_ =	sdelay $0x3  }
0x7f: {  	v14 =	vld.idx.msk [tilespmem:v14+s9+$0x0], $0xffff  }
0x80: {  	v15 =	vld.idx.msk [tilespmem:v15+s10+$0x0], $0xffff;
	_ =	sdelay $0x4  }
0x81: {  	v14 =	vmul.f32 v15, v14;
	_ =	sdelay $0x1  }
0x82: {  	[tilespmem:$0x18C0] =	vst v14  }
0x83: {  	v14 =	vld.idx.msk [tilespmem:v9+s11+$0x0], $0xffff;
	_ =	sdelay $0x4  }
0x84: {  	v15 =	vshll.u32 v14, $0x2  }
0x85: {  	v15 =	vor.u32 v4, v15;
	_ =	sdelay $0x3  }
0x86: {  	v14 =	vld.idx.msk [tilespmem:v14+s9+$0x0], $0xffff  }
0x87: {  	v15 =	vld.idx.msk [tilespmem:v15+s10+$0x0], $0xffff;
	_ =	sdelay $0x4  }
0x88: {  	v14 =	vmul.f32 v15, v14;
	_ =	sdelay $0x1  }
0x89: {  	[tilespmem:$0x18D0] =	vst v14  }
0x8a: {  	v14 =	vld.idx.msk [tilespmem:v10+s11+$0x0], $0xffff;
	_ =	sdelay $0x4  }
0x8b: {  	v15 =	vshll.u32 v14, $0x2  }
0x8c: {  	v15 =	vor.u32 v4, v15;
	_ =	sdelay $0x3  }
0x8d: {  	v14 =	vld.idx.msk [tilespmem:v14+s9+$0x0], $0xffff  }
0x8e: {  	v15 =	vld.idx.msk [tilespmem:v15+s10+$0x0], $0xffff;
	_ =	sdelay $0x4  }
0x8f: {  	v14 =	vmul.f32 v15, v14;
	_ =	sdelay $0x1  }
0x90: {  	[tilespmem:$0x18E0] =	vst v14  }
0x91: {  	v14 =	vld.idx.msk [tilespmem:v11+s11+$0x0], $0xffff;
	_ =	sdelay $0x4  }
0x92: {  	v15 =	vshll.u32 v14, $0x2  }
0x93: {  	v15 =	vor.u32 v4, v15;
	_ =	sdelay $0x3  }
0x94: {  	v14 =	vld.idx.msk [tilespmem:v14+s9+$0x0], $0xffff  }
0x95: {  	v15 =	vld.idx.msk [tilespmem:v15+s10+$0x0], $0xffff;
	_ =	sdelay $0x4  }
0x96: {  	v14 =	vmul.f32 v15, v14;
	_ =	sdelay $0x1  }
0x97: {  	[tilespmem:$0x18F0] =	vst v14  }
0x98: {  	v14 =	vld.idx.msk [tilespmem:v12+s11+$0x0], $0xffff;
	_ =	sdelay $0x4  }
0x99: {  	v15 =	vshll.u32 v14, $0x2  }
0x9a: {  	v15 =	vor.u32 v4, v15;
	_ =	sdelay $0x3  }
0x9b: {  	v14 =	vld.idx.msk [tilespmem:v14+s9+$0x0], $0xffff  }
0x9c: {  	v15 =	vld.idx.msk [tilespmem:v15+s10+$0x0], $0xffff;
	_ =	sdelay $0x4  }
0x9d: {  	v14 =	vmul.f32 v15, v14;
	_ =	sdelay $0x1  }
0x9e: {  	[tilespmem:$0x1900] =	vst v14  }
0x9f: {  	v14 =	vld.idx.msk [tilespmem:v13+s11+$0x0], $0xffff;
	_ =	sdelay $0x4  }
0xa0: {  	v15 =	vshll.u32 v14, $0x2  }
0xa1: {  	v15 =	vor.u32 v4, v15;
	_ =	sdelay $0x3  }
0xa2: {  	v14 =	vld.idx.msk [tilespmem:v14+s9+$0x0], $0xffff  }
0xa3: {  	v15 =	vld.idx.msk [tilespmem:v15+s10+$0x0], $0xffff;
	_ =	sdelay $0x4  }
0xa4: {  	s13 =	sadd.s32 $0x1, s13;
	v14 =	vmul.f32 v15, v14  }
0xa5: {  	p0 =	sne.s32 s13, s7  }
.Ltmp3:
0xa6: {  	[tilespmem:$0x1910] =	vst v14;
	(pc) =	sbr.rel @p0 .LBB2_1-.Ltmp3, $4  }
0xa7: {  	[hbm4b:s6+s2] =	stream.linear.scatter [tilespmem:s12], [sflag:$0x1], $0xA0, $0x38;
	[tilespmem:$0x1980] =	vst v63  }
0xa8: {  	_ =	swait.ge [sflag:s8], $0xA0  }
0xa9: {  	[sflag:s8] =	ssyncset.done $0x0  }
0xaa: {  	[sflag:s8] =	ssyncadd.s32 $0xFFFFFF60  }
0xab: {  	_ =	sfence.sel $0x180000  }
0xac: {  	[bflag:$0x0] =	sbarrier.arrive $0xFFFF  }
0xad: {  	p0 =	sne.s32 s0, $0x0;
	_ =	strace $0x90000047  }
0xae: {  	s0 =	sadd.s32 @!p0 $0x100000, s1;
	[bflag:$0x2] =	sbarrier.arrive $0xFFFF  }
0xaf: {  	[sflag:s0] =	ssyncadd.tile.s32 @!p0 $0x1;
	_ =	shalt  }
.Lfunc_end2:
_tile_overlayer_lowered:
.L_overlay_start_2:
0xb0: {  	(tag) =	ssettag $0x2  }
0xb1: {  	s0 =	rddreg [dreg:$0x0];
	s2 =	stileid.u32  }
0xb2: {  	s1 =	rddreg [dreg:$0x1];
	p0 =	sne.s32 s2, $0x0  }
0xb3: {  	s3 =	rddreg [dreg:$0x2];
	[bflag:$0x3] =	sbarrier.arrive $0xFFFF;
	s2 =	simm.s32 @!p0 $0x1C01  }
0xb4: {  	[timem:s3], [sflag:s2] =	dma.local @!p0 [hbm:s0], s1  }
0xb5: {  	s0 =	simm.s32 @!p0 $0x1  }
0xb6: {  	_ =	swait.ge @!p0 [sflag:s0], s1  }
0xb7: {  	s1 =	ssub.s32 @!p0 $0x0, s1;
	[sflag:s0] =	ssyncset.done @!p0 $0x0  }
0xb8: {  	[sflag:s0] =	ssyncadd.s32 @!p0 s1  }
0xb9: {  	[bflag:$0x3] =	sbarrier.arrive $0xFFFF  }
0xba: {  	_ =	shalt  }

</sc_bundles>
